<compile_context>
chip_gen: v7x
topology: tpu7x:2x2x1
jax: 0.10.2.dev20260603
libtpu: 0.0.44.dev20260713+nightly
codegen_flags: <defaults>
</compile_context>

<pallas_src>
import functools

import jax
import jax.numpy as jnp
from jax import lax
from jax.experimental import pallas as pl
from jax.experimental.pallas import tpu as pltpu
from jax.experimental.pallas import tpu_sc as plsc

VOCAB = 100000
B = 4096
L = 50
D = 64

NC = 2
NS = 16
NLANE = 16
NW = NC * NS
B_PER_W = B // NW
ROWS_PER_W = B_PER_W * L
CHUNK = 128
NCHUNK = ROWS_PER_W // CHUNK
DUMP = NS * B_PER_W
ACC_ROWS = DUMP + 8


def _body(tok_hbm, msk_hbm, table_hbm, summary_hbm, toks_hbm,
          tokv, mskv, sidx, rows, ones, accv, cntv, acc_sh, cnt_sh, sem):
    c = lax.axis_index("c")
    s = lax.axis_index("s")
    wid = c * NS + s
    row0 = wid * ROWS_PER_W
    lb0 = s * B_PER_W

    zero16 = jnp.zeros((NLANE,), jnp.float32)
    one16 = jnp.ones((NLANE,), jnp.float32)

    def init_b(j, _):
        for d in range(D // NLANE):
            accv[j, pl.ds(d * NLANE, NLANE)] = zero16
        cntv[j, pl.ds(0, NLANE)] = zero16
        ones[j, pl.ds(0, NLANE)] = one16
        return 0
    lax.fori_loop(0, B_PER_W, init_b, 0)

    pltpu.sync_copy(accv, acc_sh.at[pl.ds(lb0, B_PER_W)])
    pltpu.sync_copy(cntv, cnt_sh.at[pl.ds(lb0, B_PER_W)])

    def chunk_body(g, _):
        rbase = row0 + g * CHUNK
        pltpu.sync_copy(tok_hbm.at[pl.ds(rbase, CHUNK)], tokv)
        pltpu.sync_copy(msk_hbm.at[pl.ds(rbase, CHUNK)], mskv)
        pltpu.async_copy(table_hbm.at[tokv], rows, sem).wait()
        pltpu.sync_copy(rows, toks_hbm.at[pl.ds(rbase, CHUNK)])
        lrow0 = g * CHUNK
        dump_v = jnp.full((NLANE,), DUMP, jnp.int32)
        lane = lax.iota(jnp.int32, NLANE)
        mul_v = jnp.full((NLANE,), 5243, jnp.int32)
        shr_v = jnp.full((NLANE,), 18, jnp.int32)
        for i in range(CHUNK // NLANE):
            m = mskv[pl.ds(i * NLANE, NLANE)]
            r = lane + jnp.full((NLANE,), lrow0 + i * NLANE, jnp.int32)
            lb = ((r * mul_v) >> shr_v) + jnp.full((NLANE,), lb0, jnp.int32)
            sidx[pl.ds(i * NLANE, NLANE)] = jnp.where(m != 0, lb, dump_v)
        pltpu.sync_copy(rows, acc_sh.at[sidx], add=True)
        pltpu.sync_copy(ones, cnt_sh.at[sidx], add=True)
        return 0
    lax.fori_loop(0, NCHUNK, chunk_body, 0)

    pltpu.sync_copy(acc_sh.at[pl.ds(lb0, B_PER_W)], accv)
    pltpu.sync_copy(cnt_sh.at[pl.ds(lb0, B_PER_W)], cntv)

    def sum_row(j, _):
        cv = cntv[j, pl.ds(0, NLANE)]
        inv = one16 / jnp.maximum(cv, one16)
        for d in range(D // NLANE):
            accv[j, pl.ds(d * NLANE, NLANE)] = (
                accv[j, pl.ds(d * NLANE, NLANE)] * inv)
        return 0
    lax.fori_loop(0, B_PER_W, sum_row, 0)

    pltpu.sync_copy(accv, summary_hbm.at[pl.ds(wid * B_PER_W, B_PER_W)])


_mesh = plsc.VectorSubcoreMesh(core_axis_name="c", subcore_axis_name="s",
                               num_cores=NC, num_subcores=NS)

_glove = functools.partial(
    pl.kernel,
    compiler_params=pltpu.CompilerParams(use_tc_tiling_on_sc=False),
    out_type=(
        jax.ShapeDtypeStruct((B, D), jnp.float32),
        jax.ShapeDtypeStruct((B * L, D), jnp.float32),
    ),
    mesh=_mesh,
    scratch_types=[
        pltpu.VMEM((CHUNK,), jnp.int32),
        pltpu.VMEM((CHUNK,), jnp.int32),
        pltpu.VMEM((CHUNK,), jnp.int32),
        pltpu.VMEM((CHUNK, D), jnp.float32),
        pltpu.VMEM((B_PER_W, NLANE), jnp.float32),
        pltpu.VMEM((B_PER_W, D), jnp.float32),
        pltpu.VMEM((B_PER_W, NLANE), jnp.float32),
        pltpu.VMEM_SHARED((ACC_ROWS, D), jnp.float32),
        pltpu.VMEM_SHARED((ACC_ROWS, NLANE), jnp.float32),
        pltpu.SemaphoreType.DMA,
    ],
)(_body)


@jax.jit
def kernel(token_ids, summary_mask, table):
    tok_flat = token_ids.reshape(-1).astype(jnp.int32)
    msk_flat = summary_mask.reshape(-1).astype(jnp.int32)
    summary, toks_flat = _glove(tok_flat, msk_flat, table)
    return summary, toks_flat.reshape(B, L, D)

# --- scband reference (transcript-rebuilt; emitter-appended) ---
"""Pipeline reference for scband-simple-glove-encoder-32804960207464 (READ-ONLY COPY).

The authoritative reference and input builder live on the scoring server;
editing this copy changes nothing except your own understanding.
"""

import jax, jax.numpy as jnp
import numpy as np

VOCAB = 100000
B = 4096
L = 50
D = 64


def setup_inputs(seed: int = 0) -> dict:
    key = jax.random.key(seed)
    k1, k2, k3 = jax.random.split(key, 3)
    token_ids = jax.random.randint(k1, (B, L), 0, VOCAB)
    summary_mask = jax.random.randint(k2, (B, L), 0, 2).astype(jnp.bool_)
    table = jax.random.normal(k3, (VOCAB, D), dtype=jnp.float32)
    return {"token_ids": token_ids, "summary_mask": summary_mask, "table": table}


def reference(token_ids, summary_mask, table):
    # Embedding lookup: one GloVe vector per (possibly padded) token.
    toks = jnp.take(table, token_ids, axis=0)  # [B, L, D]
    # summary_mask marks tokens that are in-vocab and not stop words;
    # the summary is the mean of those token vectors (matching the
    # this_sum / this_sum_count accumulation in the torch module).
    m = summary_mask.astype(toks.dtype)  # [B, L]
    summed = jnp.sum(toks * m[..., None], axis=1)  # [B, D]
    cnt = jnp.maximum(jnp.sum(m, axis=1), 1.0)  # [B], avoid div-by-zero
    summary = summed / cnt[:, None]  # [B, D]
    return (summary, toks)

if __name__ == "__main__":
    import jax
    _d = setup_inputs()
    print(jax.jit(kernel)(*tuple(_d.values())))

</pallas_src>

<mosaic_0001>
#map = affine_map<(d0, d1) -> (0)>
#map1 = affine_map<(d0, d1) -> (0, 0)>
module attributes {stable_mosaic.version = 14 : i64} {
  func.func @_body(%arg0: i32, %arg1: i32, %arg2: memref<204800xi32, #tpu.memory_space<hbm>>, %arg3: memref<204800xi32, #tpu.memory_space<hbm>>, %arg4: memref<100000x64xf32, #tpu.memory_space<hbm>>, %arg5: memref<4096x64xf32, #tpu.memory_space<hbm>>, %arg6: memref<204800x64xf32, #tpu.memory_space<hbm>>, %arg7: memref<128xi32, #tpu.memory_space<vmem>>, %arg8: memref<128xi32, #tpu.memory_space<vmem>>, %arg9: memref<128xi32, #tpu.memory_space<vmem>>, %arg10: memref<128x64xf32, #tpu.memory_space<vmem>>, %arg11: memref<128x16xf32, #tpu.memory_space<vmem>>, %arg12: memref<128x64xf32, #tpu.memory_space<vmem>>, %arg13: memref<128x16xf32, #tpu.memory_space<vmem>>, %arg14: memref<2056x64xf32, #tpu.memory_space<vmem_shared>>, %arg15: memref<2056x16xf32, #tpu.memory_space<vmem_shared>>, %arg16: memref<!tpu.dma_semaphore, #tpu.memory_space<semaphore_mem>>) attributes {dimension_semantics = [#tpu.dimension_semantics<core_parallel>, #tpu.dimension_semantics<subcore_parallel>], iteration_bounds = array<i64: 2, 16>, scalar_prefetch = 0 : i64, scratch_operands = 10 : i64, tpu.core_type = #tpu.core_type<sc_vector_subcore>, window_params = [{transform_indices = #map}, {transform_indices = #map}, {transform_indices = #map1}, {transform_indices = #map1}, {transform_indices = #map1}]} {
    %mul3A = arith.constant 16 : i32
    %mul3A_0 = arith.muli %arg0, %mul3A : i32
    %add3A = arith.addi %mul3A_0, %arg1 : i32
    %mul3A_1 = arith.constant 6400 : i32
    %mul3A_2 = arith.muli %add3A, %mul3A_1 : i32
    %mul3A_3 = arith.constant 128 : i32
    %mul3A_4 = arith.muli %arg1, %mul3A_3 : i32
    %broadcast_in_dim3A = arith.constant 0.000000e+00 : f32
    %broadcast_in_dim3A_5 = vector.broadcast %broadcast_in_dim3A : f32 to vector<16xf32>
    %broadcast_in_dim3A_6 = arith.constant 1.000000e+00 : f32
    %broadcast_in_dim3A_7 = vector.broadcast %broadcast_in_dim3A_6 : f32 to vector<16xf32>
    %scan3A = arith.constant 0 : i32
    %scan3A_8 = arith.constant 0 : i32
    %scan3A_9 = arith.constant 128 : i32
    %scan3A_10 = arith.addi %scan3A_8, %scan3A_9 : i32
    %scan3A_11 = arith.constant 1 : i32
    %scan3A_12 = scf.for %scan3A_30 = %scan3A_8 to %scan3A_10 step %scan3A_11 iter_args(%scan3A_31 = %scan3A) -> (i32)  : i32 {
      %swap3A = arith.index_cast %scan3A_30 : i32 to index
      %swap3A_32 = arith.constant 0 : index
      %swap3A_33 = tpu.vector_load %arg12[%swap3A, %swap3A_32] {strides = array<i32>} : memref<128x64xf32, #tpu.memory_space<vmem>>, vector<1x16xf32>,
      %swap3A_34 = vector.shape_cast %swap3A_33 : vector<1x16xf32> to vector<16xf32>
      %swap3A_35 = vector.shape_cast %broadcast_in_dim3A_5 : vector<16xf32> to vector<1x16xf32>
      tpu.vector_store %arg12[%swap3A, %swap3A_32], %swap3A_35 {strides = array<i32>} : memref<128x64xf32, #tpu.memory_space<vmem>>, vector<1x16xf32>,
      %swap3A_36 = arith.index_cast %scan3A_30 : i32 to index
      %swap3A_37 = arith.constant 16 : index
      %swap3A_38 = tpu.vector_load %arg12[%swap3A_36, %swap3A_37] {strides = array<i32>} : memref<128x64xf32, #tpu.memory_space<vmem>>, vector<1x16xf32>,
      %swap3A_39 = vector.shape_cast %swap3A_38 : vector<1x16xf32> to vector<16xf32>
      %swap3A_40 = vector.shape_cast %broadcast_in_dim3A_5 : vector<16xf32> to vector<1x16xf32>
      tpu.vector_store %arg12[%swap3A_36, %swap3A_37], %swap3A_40 {strides = array<i32>} : memref<128x64xf32, #tpu.memory_space<vmem>>, vector<1x16xf32>,
      %swap3A_41 = arith.index_cast %scan3A_30 : i32 to index
      %swap3A_42 = arith.constant 32 : index
      %swap3A_43 = tpu.vector_load %arg12[%swap3A_41, %swap3A_42] {strides = array<i32>} : memref<128x64xf32, #tpu.memory_space<vmem>>, vector<1x16xf32>,
      %swap3A_44 = vector.shape_cast %swap3A_43 : vector<1x16xf32> to vector<16xf32>
      %swap3A_45 = vector.shape_cast %broadcast_in_dim3A_5 : vector<16xf32> to vector<1x16xf32>
      tpu.vector_store %arg12[%swap3A_41, %swap3A_42], %swap3A_45 {strides = array<i32>} : memref<128x64xf32, #tpu.memory_space<vmem>>, vector<1x16xf32>,
      %swap3A_46 = arith.index_cast %scan3A_30 : i32 to index
      %swap3A_47 = arith.constant 48 : index
      %swap3A_48 = tpu.vector_load %arg12[%swap3A_46, %swap3A_47] {strides = array<i32>} : memref<128x64xf32, #tpu.memory_space<vmem>>, vector<1x16xf32>,
      %swap3A_49 = vector.shape_cast %swap3A_48 : vector<1x16xf32> to vector<16xf32>
      %swap3A_50 = vector.shape_cast %broadcast_in_dim3A_5 : vector<16xf32> to vector<1x16xf32>
      tpu.vector_store %arg12[%swap3A_46, %swap3A_47], %swap3A_50 {strides = array<i32>} : memref<128x64xf32, #tpu.memory_space<vmem>>, vector<1x16xf32>,
      %swap3A_51 = arith.index_cast %scan3A_30 : i32 to index
      %swap3A_52 = arith.constant 0 : index
      %swap3A_53 = tpu.vector_load %arg13[%swap3A_51, %swap3A_52] {strides = array<i32>} : memref<128x16xf32, #tpu.memory_space<vmem>>, vector<1x16xf32>,
      %swap3A_54 = vector.shape_cast %swap3A_53 : vector<1x16xf32> to vector<16xf32>
      %swap3A_55 = vector.shape_cast %broadcast_in_dim3A_5 : vector<16xf32> to vector<1x16xf32>
      tpu.vector_store %arg13[%swap3A_51, %swap3A_52], %swap3A_55 {strides = array<i32>} : memref<128x16xf32, #tpu.memory_space<vmem>>, vector<1x16xf32>,
      %swap3A_56 = arith.index_cast %scan3A_30 : i32 to index
      %swap3A_57 = arith.constant 0 : index
      %swap3A_58 = tpu.vector_load %arg11[%swap3A_56, %swap3A_57] {strides = array<i32>} : memref<128x16xf32, #tpu.memory_space<vmem>>, vector<1x16xf32>,
      %swap3A_59 = vector.shape_cast %swap3A_58 : vector<1x16xf32> to vector<16xf32>
      %swap3A_60 = vector.shape_cast %broadcast_in_dim3A_7 : vector<16xf32> to vector<1x16xf32>
      tpu.vector_store %arg11[%swap3A_56, %swap3A_57], %swap3A_60 {strides = array<i32>} : memref<128x16xf32, #tpu.memory_space<vmem>>, vector<1x16xf32>,
      %scan3A_61 = arith.constant 0 : i32
      scf.yield %scan3A_61 : i32
    }
    %scan3A_13 = arith.constant 128 : i32
    "tpu.region"() ({
      %run_scoped3A = tpu.sem_alloc : memref<!tpu.dma_semaphore, #tpu.memory_space<semaphore_mem>>
      %dma_start3A = arith.constant 0 : i32
      %dma_start3A_30 = tpu.memref_slice %arg14[%mul3A_4, %dma_start3A] : memref<2056x64xf32, #tpu.memory_space<vmem_shared>> -> memref<128x64xf32, #tpu.memory_space<vmem_shared>>
      %dma_start3A_31 = arith.constant 0 : i32
      %dma_start3A_32 = tpu.memref_slice %arg14[%mul3A_4, %dma_start3A_31] : memref<2056x64xf32, #tpu.memory_space<vmem_shared>> -> memref<128x64xf32, #tpu.memory_space<vmem_shared>>
      tpu.enqueue_dma source(%arg12 : memref<128x64xf32, #tpu.memory_space<vmem>>) target(%dma_start3A_32 : memref<128x64xf32, #tpu.memory_space<vmem_shared>>) target_semaphore(%run_scoped3A : memref<!tpu.dma_semaphore, #tpu.memory_space<semaphore_mem>>)
      %dma_wait3A = arith.constant 0 : i32
      %dma_wait3A_33 = tpu.memref_slice %arg14[%mul3A_4, %dma_wait3A] : memref<2056x64xf32, #tpu.memory_space<vmem_shared>> -> memref<128x64xf32, #tpu.memory_space<vmem_shared>>
      %dma_wait3A_34 = arith.constant 0 : i32
      %dma_wait3A_35 = tpu.memref_slice %arg14[%mul3A_4, %dma_wait3A_34] : memref<2056x64xf32, #tpu.memory_space<vmem_shared>> -> memref<128x64xf32, #tpu.memory_space<vmem_shared>>
      tpu.wait_dma2 semaphore(%run_scoped3A : memref<!tpu.dma_semaphore, #tpu.memory_space<semaphore_mem>>) src(%arg12 : memref<128x64xf32, #tpu.memory_space<vmem>>) dst(%dma_wait3A_35 : memref<128x64xf32, #tpu.memory_space<vmem_shared>>)
      tpu.yield
    }) : () -> ()
    "tpu.region"() ({
      %run_scoped3A = tpu.sem_alloc : memref<!tpu.dma_semaphore, #tpu.memory_space<semaphore_mem>>
      %dma_start3A = arith.constant 0 : i32
      %dma_start3A_30 = tpu.memref_slice %arg15[%mul3A_4, %dma_start3A] : memref<2056x16xf32, #tpu.memory_space<vmem_shared>> -> memref<128x16xf32, #tpu.memory_space<vmem_shared>>
      %dma_start3A_31 = arith.constant 0 : i32
      %dma_start3A_32 = tpu.memref_slice %arg15[%mul3A_4, %dma_start3A_31] : memref<2056x16xf32, #tpu.memory_space<vmem_shared>> -> memref<128x16xf32, #tpu.memory_space<vmem_shared>>
      tpu.enqueue_dma source(%arg13 : memref<128x16xf32, #tpu.memory_space<vmem>>) target(%dma_start3A_32 : memref<128x16xf32, #tpu.memory_space<vmem_shared>>) target_semaphore(%run_scoped3A : memref<!tpu.dma_semaphore, #tpu.memory_space<semaphore_mem>>)
      %dma_wait3A = arith.constant 0 : i32
      %dma_wait3A_33 = tpu.memref_slice %arg15[%mul3A_4, %dma_wait3A] : memref<2056x16xf32, #tpu.memory_space<vmem_shared>> -> memref<128x16xf32, #tpu.memory_space<vmem_shared>>
      %dma_wait3A_34 = arith.constant 0 : i32
      %dma_wait3A_35 = tpu.memref_slice %arg15[%mul3A_4, %dma_wait3A_34] : memref<2056x16xf32, #tpu.memory_space<vmem_shared>> -> memref<128x16xf32, #tpu.memory_space<vmem_shared>>
      tpu.wait_dma2 semaphore(%run_scoped3A : memref<!tpu.dma_semaphore, #tpu.memory_space<semaphore_mem>>) src(%arg13 : memref<128x16xf32, #tpu.memory_space<vmem>>) dst(%dma_wait3A_35 : memref<128x16xf32, #tpu.memory_space<vmem_shared>>)
      tpu.yield
    }) : () -> ()
    %scan3A_14 = arith.constant 0 : i32
    %scan3A_15 = arith.constant 0 : i32
    %scan3A_16 = arith.constant 50 : i32
    %scan3A_17 = arith.addi %scan3A_15, %scan3A_16 : i32
    %scan3A_18 = arith.constant 1 : i32
    %scan3A_19 = scf.for %scan3A_30 = %scan3A_15 to %scan3A_17 step %scan3A_18 iter_args(%scan3A_31 = %scan3A_14) -> (i32)  : i32 {
      %mul3A_32 = arith.constant 128 : i32
      %mul3A_33 = arith.muli %scan3A_30, %mul3A_32 : i32
      %add3A_34 = arith.addi %mul3A_2, %mul3A_33 : i32
      "tpu.region"() ({
        %run_scoped3A = tpu.sem_alloc : memref<!tpu.dma_semaphore, #tpu.memory_space<semaphore_mem>>
        %dma_start3A_195 = tpu.memref_slice %arg2[%add3A_34] : memref<204800xi32, #tpu.memory_space<hbm>> -> memref<128xi32, #tpu.memory_space<hbm>>
        %dma_start3A_196 = tpu.memref_slice %arg2[%add3A_34] : memref<204800xi32, #tpu.memory_space<hbm>> -> memref<128xi32, #tpu.memory_space<hbm>>
        tpu.enqueue_dma source(%dma_start3A_196 : memref<128xi32, #tpu.memory_space<hbm>>) target(%arg7 : memref<128xi32, #tpu.memory_space<vmem>>) target_semaphore(%run_scoped3A : memref<!tpu.dma_semaphore, #tpu.memory_space<semaphore_mem>>)
        %dma_wait3A_197 = tpu.memref_slice %arg2[%add3A_34] : memref<204800xi32, #tpu.memory_space<hbm>> -> memref<128xi32, #tpu.memory_space<hbm>>
        %dma_wait3A_198 = tpu.memref_slice %arg2[%add3A_34] : memref<204800xi32, #tpu.memory_space<hbm>> -> memref<128xi32, #tpu.memory_space<hbm>>
        tpu.wait_dma2 semaphore(%run_scoped3A : memref<!tpu.dma_semaphore, #tpu.memory_space<semaphore_mem>>) src(%dma_wait3A_198 : memref<128xi32, #tpu.memory_space<hbm>>) dst(%arg7 : memref<128xi32, #tpu.memory_space<vmem>>)
        tpu.yield
      }) : () -> ()
      "tpu.region"() ({
        %run_scoped3A = tpu.sem_alloc : memref<!tpu.dma_semaphore, #tpu.memory_space<semaphore_mem>>
        %dma_start3A_195 = tpu.memref_slice %arg3[%add3A_34] : memref<204800xi32, #tpu.memory_space<hbm>> -> memref<128xi32, #tpu.memory_space<hbm>>
        %dma_start3A_196 = tpu.memref_slice %arg3[%add3A_34] : memref<204800xi32, #tpu.memory_space<hbm>> -> memref<128xi32, #tpu.memory_space<hbm>>
        tpu.enqueue_dma source(%dma_start3A_196 : memref<128xi32, #tpu.memory_space<hbm>>) target(%arg8 : memref<128xi32, #tpu.memory_space<vmem>>) target_semaphore(%run_scoped3A : memref<!tpu.dma_semaphore, #tpu.memory_space<semaphore_mem>>)
        %dma_wait3A_197 = tpu.memref_slice %arg3[%add3A_34] : memref<204800xi32, #tpu.memory_space<hbm>> -> memref<128xi32, #tpu.memory_space<hbm>>
        %dma_wait3A_198 = tpu.memref_slice %arg3[%add3A_34] : memref<204800xi32, #tpu.memory_space<hbm>> -> memref<128xi32, #tpu.memory_space<hbm>>
        tpu.wait_dma2 semaphore(%run_scoped3A : memref<!tpu.dma_semaphore, #tpu.memory_space<semaphore_mem>>) src(%dma_wait3A_198 : memref<128xi32, #tpu.memory_space<hbm>>) dst(%arg8 : memref<128xi32, #tpu.memory_space<vmem>>)
        tpu.yield
      }) : () -> ()
      %dma_start3A = arith.constant 0 : i32
      %dma_start3A_35 = arith.constant 0 : i32
      %dma_start3A_36 = tpu.memref_slice %arg4[%dma_start3A, %dma_start3A_35] : memref<100000x64xf32, #tpu.memory_space<hbm>> -> memref<100000x64xf32, #tpu.memory_space<hbm>>
      tpu.enqueue_indirect_dma source(%dma_start3A_36 : memref<100000x64xf32, #tpu.memory_space<hbm>>) target(%arg10 : memref<128x64xf32, #tpu.memory_space<vmem>>) offsets(%arg7 : memref<128xi32, #tpu.memory_space<vmem>>) semaphore(%arg16 : memref<!tpu.dma_semaphore, #tpu.memory_space<semaphore_mem>>)
      %dma_wait3A = arith.constant 0 : i32
      %dma_wait3A_37 = arith.constant 0 : i32
      %dma_wait3A_38 = tpu.memref_slice %arg4[%dma_wait3A, %dma_wait3A_37] : memref<100000x64xf32, #tpu.memory_space<hbm>> -> memref<100000x64xf32, #tpu.memory_space<hbm>>
      tpu.wait_indirect_dma semaphore(%arg16 : memref<!tpu.dma_semaphore, #tpu.memory_space<semaphore_mem>>) src(%dma_wait3A_38 : memref<100000x64xf32, #tpu.memory_space<hbm>>) dst(%arg10 : memref<128x64xf32, #tpu.memory_space<vmem>>)
      "tpu.region"() ({
        %run_scoped3A = tpu.sem_alloc : memref<!tpu.dma_semaphore, #tpu.memory_space<semaphore_mem>>
        %dma_start3A_195 = arith.constant 0 : i32
        %dma_start3A_196 = tpu.memref_slice %arg6[%add3A_34, %dma_start3A_195] : memref<204800x64xf32, #tpu.memory_space<hbm>> -> memref<128x64xf32, #tpu.memory_space<hbm>>
        %dma_start3A_197 = arith.constant 0 : i32
        %dma_start3A_198 = tpu.memref_slice %arg6[%add3A_34, %dma_start3A_197] : memref<204800x64xf32, #tpu.memory_space<hbm>> -> memref<128x64xf32, #tpu.memory_space<hbm>>
        tpu.enqueue_dma source(%arg10 : memref<128x64xf32, #tpu.memory_space<vmem>>) target(%dma_start3A_198 : memref<128x64xf32, #tpu.memory_space<hbm>>) target_semaphore(%run_scoped3A : memref<!tpu.dma_semaphore, #tpu.memory_space<semaphore_mem>>)
        %dma_wait3A_199 = arith.constant 0 : i32
        %dma_wait3A_200 = tpu.memref_slice %arg6[%add3A_34, %dma_wait3A_199] : memref<204800x64xf32, #tpu.memory_space<hbm>> -> memref<128x64xf32, #tpu.memory_space<hbm>>
        %dma_wait3A_201 = arith.constant 0 : i32
        %dma_wait3A_202 = tpu.memref_slice %arg6[%add3A_34, %dma_wait3A_201] : memref<204800x64xf32, #tpu.memory_space<hbm>> -> memref<128x64xf32, #tpu.memory_space<hbm>>
        tpu.wait_dma2 semaphore(%run_scoped3A : memref<!tpu.dma_semaphore, #tpu.memory_space<semaphore_mem>>) src(%arg10 : memref<128x64xf32, #tpu.memory_space<vmem>>) dst(%dma_wait3A_202 : memref<128x64xf32, #tpu.memory_space<hbm>>)
        tpu.yield
      }) : () -> ()
      %mul3A_39 = arith.constant 128 : i32
      %mul3A_40 = arith.muli %scan3A_30, %mul3A_39 : i32
      %broadcast_in_dim3A_41 = arith.constant 2048 : i32
      %broadcast_in_dim3A_42 = vector.broadcast %broadcast_in_dim3A_41 : i32 to vector<16xi32>
      %iota3A = tpu.iota {dimensions = array<i32: 0>} : vector<16xi32>
      %broadcast_in_dim3A_43 = arith.constant 5243 : i32
      %broadcast_in_dim3A_44 = vector.broadcast %broadcast_in_dim3A_43 : i32 to vector<16xi32>
      %broadcast_in_dim3A_45 = arith.constant 18 : i32
      %broadcast_in_dim3A_46 = vector.broadcast %broadcast_in_dim3A_45 : i32 to vector<16xi32>
      %get3A = arith.constant 0 : index
      %get3A_47 = tpu.vector_load %arg8[%get3A] {strides = array<i32>} : memref<128xi32, #tpu.memory_space<vmem>>, vector<16xi32>,
      %get3A_48 = vector.shape_cast %get3A_47 : vector<16xi32> to vector<16xi32>
      %add3A_49 = arith.constant 0 : i32
      %add3A_50 = arith.addi %mul3A_40, %add3A_49 : i32
      %broadcast_in_dim3A_51 = vector.broadcast %add3A_50 : i32 to vector<16xi32>
      %add3A_52 = arith.addi %iota3A, %broadcast_in_dim3A_51 : vector<16xi32>
      %mul3A_53 = arith.muli %add3A_52, %broadcast_in_dim3A_44 : vector<16xi32>
      %shift_right_arithmetic3A = arith.shrsi %mul3A_53, %broadcast_in_dim3A_46 : vector<16xi32>
      %broadcast_in_dim3A_54 = vector.broadcast %mul3A_4 : i32 to vector<16xi32>
      %add3A_55 = arith.addi %shift_right_arithmetic3A, %broadcast_in_dim3A_54 : vector<16xi32>
      %ne3A = arith.constant 0 : i32
      %ne3A_56 = vector.broadcast %ne3A : i32 to vector<16xi32>
      %ne3A_57 = arith.cmpi ne, %get3A_48, %ne3A_56 : vector<16xi32>
      %select_n3A = arith.select %ne3A_57, %add3A_55, %broadcast_in_dim3A_42 : vector<16xi1>, vector<16xi32>
      %swap3A = arith.constant 0 : index
      %swap3A_58 = tpu.vector_load %arg9[%swap3A] {strides = array<i32>} : memref<128xi32, #tpu.memory_space<vmem>>, vector<16xi32>,
      %swap3A_59 = vector.shape_cast %swap3A_58 : vector<16xi32> to vector<16xi32>
      %swap3A_60 = vector.shape_cast %select_n3A : vector<16xi32> to vector<16xi32>
      tpu.vector_store %arg9[%swap3A], %swap3A_60 {strides = array<i32>} : memref<128xi32, #tpu.memory_space<vmem>>, vector<16xi32>,
      %get3A_61 = arith.constant 16 : index
      %get3A_62 = tpu.vector_load %arg8[%get3A_61] {strides = array<i32>} : memref<128xi32, #tpu.memory_space<vmem>>, vector<16xi32>,
      %get3A_63 = vector.shape_cast %get3A_62 : vector<16xi32> to vector<16xi32>
      %add3A_64 = arith.constant 16 : i32
      %add3A_65 = arith.addi %mul3A_40, %add3A_64 : i32
      %broadcast_in_dim3A_66 = vector.broadcast %add3A_65 : i32 to vector<16xi32>
      %add3A_67 = arith.addi %iota3A, %broadcast_in_dim3A_66 : vector<16xi32>
      %mul3A_68 = arith.muli %add3A_67, %broadcast_in_dim3A_44 : vector<16xi32>
      %shift_right_arithmetic3A_69 = arith.shrsi %mul3A_68, %broadcast_in_dim3A_46 : vector<16xi32>
      %broadcast_in_dim3A_70 = vector.broadcast %mul3A_4 : i32 to vector<16xi32>
      %add3A_71 = arith.addi %shift_right_arithmetic3A_69, %broadcast_in_dim3A_70 : vector<16xi32>
      %ne3A_72 = arith.constant 0 : i32
      %ne3A_73 = vector.broadcast %ne3A_72 : i32 to vector<16xi32>
      %ne3A_74 = arith.cmpi ne, %get3A_63, %ne3A_73 : vector<16xi32>
      %select_n3A_75 = arith.select %ne3A_74, %add3A_71, %broadcast_in_dim3A_42 : vector<16xi1>, vector<16xi32>
      %swap3A_76 = arith.constant 16 : index
      %swap3A_77 = tpu.vector_load %arg9[%swap3A_76] {strides = array<i32>} : memref<128xi32, #tpu.memory_space<vmem>>, vector<16xi32>,
      %swap3A_78 = vector.shape_cast %swap3A_77 : vector<16xi32> to vector<16xi32>
      %swap3A_79 = vector.shape_cast %select_n3A_75 : vector<16xi32> to vector<16xi32>
      tpu.vector_store %arg9[%swap3A_76], %swap3A_79 {strides = array<i32>} : memref<128xi32, #tpu.memory_space<vmem>>, vector<16xi32>,
      %get3A_80 = arith.constant 32 : index
      %get3A_81 = tpu.vector_load %arg8[%get3A_80] {strides = array<i32>} : memref<128xi32, #tpu.memory_space<vmem>>, vector<16xi32>,
      %get3A_82 = vector.shape_cast %get3A_81 : vector<16xi32> to vector<16xi32>
      %add3A_83 = arith.constant 32 : i32
      %add3A_84 = arith.addi %mul3A_40, %add3A_83 : i32
      %broadcast_in_dim3A_85 = vector.broadcast %add3A_84 : i32 to vector<16xi32>
      %add3A_86 = arith.addi %iota3A, %broadcast_in_dim3A_85 : vector<16xi32>
      %mul3A_87 = arith.muli %add3A_86, %broadcast_in_dim3A_44 : vector<16xi32>
      %shift_right_arithmetic3A_88 = arith.shrsi %mul3A_87, %broadcast_in_dim3A_46 : vector<16xi32>
      %broadcast_in_dim3A_89 = vector.broadcast %mul3A_4 : i32 to vector<16xi32>
      %add3A_90 = arith.addi %shift_right_arithmetic3A_88, %broadcast_in_dim3A_89 : vector<16xi32>
      %ne3A_91 = arith.constant 0 : i32
      %ne3A_92 = vector.broadcast %ne3A_91 : i32 to vector<16xi32>
      %ne3A_93 = arith.cmpi ne, %get3A_82, %ne3A_92 : vector<16xi32>
      %select_n3A_94 = arith.select %ne3A_93, %add3A_90, %broadcast_in_dim3A_42 : vector<16xi1>, vector<16xi32>
      %swap3A_95 = arith.constant 32 : index
      %swap3A_96 = tpu.vector_load %arg9[%swap3A_95] {strides = array<i32>} : memref<128xi32, #tpu.memory_space<vmem>>, vector<16xi32>,
      %swap3A_97 = vector.shape_cast %swap3A_96 : vector<16xi32> to vector<16xi32>
      %swap3A_98 = vector.shape_cast %select_n3A_94 : vector<16xi32> to vector<16xi32>
      tpu.vector_store %arg9[%swap3A_95], %swap3A_98 {strides = array<i32>} : memref<128xi32, #tpu.memory_space<vmem>>, vector<16xi32>,
      %get3A_99 = arith.constant 48 : index
      %get3A_100 = tpu.vector_load %arg8[%get3A_99] {strides = array<i32>} : memref<128xi32, #tpu.memory_space<vmem>>, vector<16xi32>,
      %get3A_101 = vector.shape_cast %get3A_100 : vector<16xi32> to vector<16xi32>
      %add3A_102 = arith.constant 48 : i32
      %add3A_103 = arith.addi %mul3A_40, %add3A_102 : i32
      %broadcast_in_dim3A_104 = vector.broadcast %add3A_103 : i32 to vector<16xi32>
      %add3A_105 = arith.addi %iota3A, %broadcast_in_dim3A_104 : vector<16xi32>
      %mul3A_106 = arith.muli %add3A_105, %broadcast_in_dim3A_44 : vector<16xi32>
      %shift_right_arithmetic3A_107 = arith.shrsi %mul3A_106, %broadcast_in_dim3A_46 : vector<16xi32>
      %broadcast_in_dim3A_108 = vector.broadcast %mul3A_4 : i32 to vector<16xi32>
      %add3A_109 = arith.addi %shift_right_arithmetic3A_107, %broadcast_in_dim3A_108 : vector<16xi32>
      %ne3A_110 = arith.constant 0 : i32
      %ne3A_111 = vector.broadcast %ne3A_110 : i32 to vector<16xi32>
      %ne3A_112 = arith.cmpi ne, %get3A_101, %ne3A_111 : vector<16xi32>
      %select_n3A_113 = arith.select %ne3A_112, %add3A_109, %broadcast_in_dim3A_42 : vector<16xi1>, vector<16xi32>
      %swap3A_114 = arith.constant 48 : index
      %swap3A_115 = tpu.vector_load %arg9[%swap3A_114] {strides = array<i32>} : memref<128xi32, #tpu.memory_space<vmem>>, vector<16xi32>,
      %swap3A_116 = vector.shape_cast %swap3A_115 : vector<16xi32> to vector<16xi32>
      %swap3A_117 = vector.shape_cast %select_n3A_113 : vector<16xi32> to vector<16xi32>
      tpu.vector_store %arg9[%swap3A_114], %swap3A_117 {strides = array<i32>} : memref<128xi32, #tpu.memory_space<vmem>>, vector<16xi32>,
      %get3A_118 = arith.constant 64 : index
      %get3A_119 = tpu.vector_load %arg8[%get3A_118] {strides = array<i32>} : memref<128xi32, #tpu.memory_space<vmem>>, vector<16xi32>,
      %get3A_120 = vector.shape_cast %get3A_119 : vector<16xi32> to vector<16xi32>
      %add3A_121 = arith.constant 64 : i32
      %add3A_122 = arith.addi %mul3A_40, %add3A_121 : i32
      %broadcast_in_dim3A_123 = vector.broadcast %add3A_122 : i32 to vector<16xi32>
      %add3A_124 = arith.addi %iota3A, %broadcast_in_dim3A_123 : vector<16xi32>
      %mul3A_125 = arith.muli %add3A_124, %broadcast_in_dim3A_44 : vector<16xi32>
      %shift_right_arithmetic3A_126 = arith.shrsi %mul3A_125, %broadcast_in_dim3A_46 : vector<16xi32>
      %broadcast_in_dim3A_127 = vector.broadcast %mul3A_4 : i32 to vector<16xi32>
      %add3A_128 = arith.addi %shift_right_arithmetic3A_126, %broadcast_in_dim3A_127 : vector<16xi32>
      %ne3A_129 = arith.constant 0 : i32
      %ne3A_130 = vector.broadcast %ne3A_129 : i32 to vector<16xi32>
      %ne3A_131 = arith.cmpi ne, %get3A_120, %ne3A_130 : vector<16xi32>
      %select_n3A_132 = arith.select %ne3A_131, %add3A_128, %broadcast_in_dim3A_42 : vector<16xi1>, vector<16xi32>
      %swap3A_133 = arith.constant 64 : index
      %swap3A_134 = tpu.vector_load %arg9[%swap3A_133] {strides = array<i32>} : memref<128xi32, #tpu.memory_space<vmem>>, vector<16xi32>,
      %swap3A_135 = vector.shape_cast %swap3A_134 : vector<16xi32> to vector<16xi32>
      %swap3A_136 = vector.shape_cast %select_n3A_132 : vector<16xi32> to vector<16xi32>
      tpu.vector_store %arg9[%swap3A_133], %swap3A_136 {strides = array<i32>} : memref<128xi32, #tpu.memory_space<vmem>>, vector<16xi32>,
      %get3A_137 = arith.constant 80 : index
      %get3A_138 = tpu.vector_load %arg8[%get3A_137] {strides = array<i32>} : memref<128xi32, #tpu.memory_space<vmem>>, vector<16xi32>,
      %get3A_139 = vector.shape_cast %get3A_138 : vector<16xi32> to vector<16xi32>
      %add3A_140 = arith.constant 80 : i32
      %add3A_141 = arith.addi %mul3A_40, %add3A_140 : i32
      %broadcast_in_dim3A_142 = vector.broadcast %add3A_141 : i32 to vector<16xi32>
      %add3A_143 = arith.addi %iota3A, %broadcast_in_dim3A_142 : vector<16xi32>
      %mul3A_144 = arith.muli %add3A_143, %broadcast_in_dim3A_44 : vector<16xi32>
      %shift_right_arithmetic3A_145 = arith.shrsi %mul3A_144, %broadcast_in_dim3A_46 : vector<16xi32>
      %broadcast_in_dim3A_146 = vector.broadcast %mul3A_4 : i32 to vector<16xi32>
      %add3A_147 = arith.addi %shift_right_arithmetic3A_145, %broadcast_in_dim3A_146 : vector<16xi32>
      %ne3A_148 = arith.constant 0 : i32
      %ne3A_149 = vector.broadcast %ne3A_148 : i32 to vector<16xi32>
      %ne3A_150 = arith.cmpi ne, %get3A_139, %ne3A_149 : vector<16xi32>
      %select_n3A_151 = arith.select %ne3A_150, %add3A_147, %broadcast_in_dim3A_42 : vector<16xi1>, vector<16xi32>
      %swap3A_152 = arith.constant 80 : index
      %swap3A_153 = tpu.vector_load %arg9[%swap3A_152] {strides = array<i32>} : memref<128xi32, #tpu.memory_space<vmem>>, vector<16xi32>,
      %swap3A_154 = vector.shape_cast %swap3A_153 : vector<16xi32> to vector<16xi32>
      %swap3A_155 = vector.shape_cast %select_n3A_151 : vector<16xi32> to vector<16xi32>
      tpu.vector_store %arg9[%swap3A_152], %swap3A_155 {strides = array<i32>} : memref<128xi32, #tpu.memory_space<vmem>>, vector<16xi32>,
      %get3A_156 = arith.constant 96 : index
      %get3A_157 = tpu.vector_load %arg8[%get3A_156] {strides = array<i32>} : memref<128xi32, #tpu.memory_space<vmem>>, vector<16xi32>,
      %get3A_158 = vector.shape_cast %get3A_157 : vector<16xi32> to vector<16xi32>
      %add3A_159 = arith.constant 96 : i32
      %add3A_160 = arith.addi %mul3A_40, %add3A_159 : i32
      %broadcast_in_dim3A_161 = vector.broadcast %add3A_160 : i32 to vector<16xi32>
      %add3A_162 = arith.addi %iota3A, %broadcast_in_dim3A_161 : vector<16xi32>
      %mul3A_163 = arith.muli %add3A_162, %broadcast_in_dim3A_44 : vector<16xi32>
      %shift_right_arithmetic3A_164 = arith.shrsi %mul3A_163, %broadcast_in_dim3A_46 : vector<16xi32>
      %broadcast_in_dim3A_165 = vector.broadcast %mul3A_4 : i32 to vector<16xi32>
      %add3A_166 = arith.addi %shift_right_arithmetic3A_164, %broadcast_in_dim3A_165 : vector<16xi32>
      %ne3A_167 = arith.constant 0 : i32
      %ne3A_168 = vector.broadcast %ne3A_167 : i32 to vector<16xi32>
      %ne3A_169 = arith.cmpi ne, %get3A_158, %ne3A_168 : vector<16xi32>
      %select_n3A_170 = arith.select %ne3A_169, %add3A_166, %broadcast_in_dim3A_42 : vector<16xi1>, vector<16xi32>
      %swap3A_171 = arith.constant 96 : index
      %swap3A_172 = tpu.vector_load %arg9[%swap3A_171] {strides = array<i32>} : memref<128xi32, #tpu.memory_space<vmem>>, vector<16xi32>,
      %swap3A_173 = vector.shape_cast %swap3A_172 : vector<16xi32> to vector<16xi32>
      %swap3A_174 = vector.shape_cast %select_n3A_170 : vector<16xi32> to vector<16xi32>
      tpu.vector_store %arg9[%swap3A_171], %swap3A_174 {strides = array<i32>} : memref<128xi32, #tpu.memory_space<vmem>>, vector<16xi32>,
      %get3A_175 = arith.constant 112 : index
      %get3A_176 = tpu.vector_load %arg8[%get3A_175] {strides = array<i32>} : memref<128xi32, #tpu.memory_space<vmem>>, vector<16xi32>,
      %get3A_177 = vector.shape_cast %get3A_176 : vector<16xi32> to vector<16xi32>
      %add3A_178 = arith.constant 112 : i32
      %add3A_179 = arith.addi %mul3A_40, %add3A_178 : i32
      %broadcast_in_dim3A_180 = vector.broadcast %add3A_179 : i32 to vector<16xi32>
      %add3A_181 = arith.addi %iota3A, %broadcast_in_dim3A_180 : vector<16xi32>
      %mul3A_182 = arith.muli %add3A_181, %broadcast_in_dim3A_44 : vector<16xi32>
      %shift_right_arithmetic3A_183 = arith.shrsi %mul3A_182, %broadcast_in_dim3A_46 : vector<16xi32>
      %broadcast_in_dim3A_184 = vector.broadcast %mul3A_4 : i32 to vector<16xi32>
      %add3A_185 = arith.addi %shift_right_arithmetic3A_183, %broadcast_in_dim3A_184 : vector<16xi32>
      %ne3A_186 = arith.constant 0 : i32
      %ne3A_187 = vector.broadcast %ne3A_186 : i32 to vector<16xi32>
      %ne3A_188 = arith.cmpi ne, %get3A_177, %ne3A_187 : vector<16xi32>
      %select_n3A_189 = arith.select %ne3A_188, %add3A_185, %broadcast_in_dim3A_42 : vector<16xi1>, vector<16xi32>
      %swap3A_190 = arith.constant 112 : index
      %swap3A_191 = tpu.vector_load %arg9[%swap3A_190] {strides = array<i32>} : memref<128xi32, #tpu.memory_space<vmem>>, vector<16xi32>,
      %swap3A_192 = vector.shape_cast %swap3A_191 : vector<16xi32> to vector<16xi32>
      %swap3A_193 = vector.shape_cast %select_n3A_189 : vector<16xi32> to vector<16xi32>
      tpu.vector_store %arg9[%swap3A_190], %swap3A_193 {strides = array<i32>} : memref<128xi32, #tpu.memory_space<vmem>>, vector<16xi32>,
      "tpu.region"() ({
        %run_scoped3A = tpu.sem_alloc : memref<!tpu.dma_semaphore, #tpu.memory_space<semaphore_mem>>
        %dma_start3A_195 = arith.constant 0 : i32
        %dma_start3A_196 = arith.constant 0 : i32
        %dma_start3A_197 = tpu.memref_slice %arg14[%dma_start3A_195, %dma_start3A_196] : memref<2056x64xf32, #tpu.memory_space<vmem_shared>> -> memref<2056x64xf32, #tpu.memory_space<vmem_shared>>
        tpu.enqueue_indirect_dma source(%arg10 : memref<128x64xf32, #tpu.memory_space<vmem>>) target(%dma_start3A_197 : memref<2056x64xf32, #tpu.memory_space<vmem_shared>>) offsets(%arg9 : memref<128xi32, #tpu.memory_space<vmem>>) semaphore(%run_scoped3A : memref<!tpu.dma_semaphore, #tpu.memory_space<semaphore_mem>>) {add = true}
        %dma_wait3A_198 = arith.constant 0 : i32
        %dma_wait3A_199 = arith.constant 0 : i32
        %dma_wait3A_200 = tpu.memref_slice %arg14[%dma_wait3A_198, %dma_wait3A_199] : memref<2056x64xf32, #tpu.memory_space<vmem_shared>> -> memref<2056x64xf32, #tpu.memory_space<vmem_shared>>
        tpu.wait_indirect_dma semaphore(%run_scoped3A : memref<!tpu.dma_semaphore, #tpu.memory_space<semaphore_mem>>) src(%arg10 : memref<128x64xf32, #tpu.memory_space<vmem>>) dst(%dma_wait3A_200 : memref<2056x64xf32, #tpu.memory_space<vmem_shared>>)
        tpu.yield
      }) : () -> ()
      "tpu.region"() ({
        %run_scoped3A = tpu.sem_alloc : memref<!tpu.dma_semaphore, #tpu.memory_space<semaphore_mem>>
        %dma_start3A_195 = arith.constant 0 : i32
        %dma_start3A_196 = arith.constant 0 : i32
        %dma_start3A_197 = tpu.memref_slice %arg15[%dma_start3A_195, %dma_start3A_196] : memref<2056x16xf32, #tpu.memory_space<vmem_shared>> -> memref<2056x16xf32, #tpu.memory_space<vmem_shared>>
        tpu.enqueue_indirect_dma source(%arg11 : memref<128x16xf32, #tpu.memory_space<vmem>>) target(%dma_start3A_197 : memref<2056x16xf32, #tpu.memory_space<vmem_shared>>) offsets(%arg9 : memref<128xi32, #tpu.memory_space<vmem>>) semaphore(%run_scoped3A : memref<!tpu.dma_semaphore, #tpu.memory_space<semaphore_mem>>) {add = true}
        %dma_wait3A_198 = arith.constant 0 : i32
        %dma_wait3A_199 = arith.constant 0 : i32
        %dma_wait3A_200 = tpu.memref_slice %arg15[%dma_wait3A_198, %dma_wait3A_199] : memref<2056x16xf32, #tpu.memory_space<vmem_shared>> -> memref<2056x16xf32, #tpu.memory_space<vmem_shared>>
        tpu.wait_indirect_dma semaphore(%run_scoped3A : memref<!tpu.dma_semaphore, #tpu.memory_space<semaphore_mem>>) src(%arg11 : memref<128x16xf32, #tpu.memory_space<vmem>>) dst(%dma_wait3A_200 : memref<2056x16xf32, #tpu.memory_space<vmem_shared>>)
        tpu.yield
      }) : () -> ()
      %scan3A_194 = arith.constant 0 : i32
      scf.yield %scan3A_194 : i32
    }
    %scan3A_20 = arith.constant 50 : i32
    "tpu.region"() ({
      %run_scoped3A = tpu.sem_alloc : memref<!tpu.dma_semaphore, #tpu.memory_space<semaphore_mem>>
      %dma_start3A = arith.constant 0 : i32
      %dma_start3A_30 = tpu.memref_slice %arg14[%mul3A_4, %dma_start3A] : memref<2056x64xf32, #tpu.memory_space<vmem_shared>> -> memref<128x64xf32, #tpu.memory_space<vmem_shared>>
      %dma_start3A_31 = arith.constant 0 : i32
      %dma_start3A_32 = tpu.memref_slice %arg14[%mul3A_4, %dma_start3A_31] : memref<2056x64xf32, #tpu.memory_space<vmem_shared>> -> memref<128x64xf32, #tpu.memory_space<vmem_shared>>
      tpu.enqueue_dma source(%dma_start3A_32 : memref<128x64xf32, #tpu.memory_space<vmem_shared>>) target(%arg12 : memref<128x64xf32, #tpu.memory_space<vmem>>) target_semaphore(%run_scoped3A : memref<!tpu.dma_semaphore, #tpu.memory_space<semaphore_mem>>)
      %dma_wait3A = arith.constant 0 : i32
      %dma_wait3A_33 = tpu.memref_slice %arg14[%mul3A_4, %dma_wait3A] : memref<2056x64xf32, #tpu.memory_space<vmem_shared>> -> memref<128x64xf32, #tpu.memory_space<vmem_shared>>
      %dma_wait3A_34 = arith.constant 0 : i32
      %dma_wait3A_35 = tpu.memref_slice %arg14[%mul3A_4, %dma_wait3A_34] : memref<2056x64xf32, #tpu.memory_space<vmem_shared>> -> memref<128x64xf32, #tpu.memory_space<vmem_shared>>
      tpu.wait_dma2 semaphore(%run_scoped3A : memref<!tpu.dma_semaphore, #tpu.memory_space<semaphore_mem>>) src(%dma_wait3A_35 : memref<128x64xf32, #tpu.memory_space<vmem_shared>>) dst(%arg12 : memref<128x64xf32, #tpu.memory_space<vmem>>)
      tpu.yield
    }) : () -> ()
    "tpu.region"() ({
      %run_scoped3A = tpu.sem_alloc : memref<!tpu.dma_semaphore, #tpu.memory_space<semaphore_mem>>
      %dma_start3A = arith.constant 0 : i32
      %dma_start3A_30 = tpu.memref_slice %arg15[%mul3A_4, %dma_start3A] : memref<2056x16xf32, #tpu.memory_space<vmem_shared>> -> memref<128x16xf32, #tpu.memory_space<vmem_shared>>
      %dma_start3A_31 = arith.constant 0 : i32
      %dma_start3A_32 = tpu.memref_slice %arg15[%mul3A_4, %dma_start3A_31] : memref<2056x16xf32, #tpu.memory_space<vmem_shared>> -> memref<128x16xf32, #tpu.memory_space<vmem_shared>>
      tpu.enqueue_dma source(%dma_start3A_32 : memref<128x16xf32, #tpu.memory_space<vmem_shared>>) target(%arg13 : memref<128x16xf32, #tpu.memory_space<vmem>>) target_semaphore(%run_scoped3A : memref<!tpu.dma_semaphore, #tpu.memory_space<semaphore_mem>>)
      %dma_wait3A = arith.constant 0 : i32
      %dma_wait3A_33 = tpu.memref_slice %arg15[%mul3A_4, %dma_wait3A] : memref<2056x16xf32, #tpu.memory_space<vmem_shared>> -> memref<128x16xf32, #tpu.memory_space<vmem_shared>>
      %dma_wait3A_34 = arith.constant 0 : i32
      %dma_wait3A_35 = tpu.memref_slice %arg15[%mul3A_4, %dma_wait3A_34] : memref<2056x16xf32, #tpu.memory_space<vmem_shared>> -> memref<128x16xf32, #tpu.memory_space<vmem_shared>>
      tpu.wait_dma2 semaphore(%run_scoped3A : memref<!tpu.dma_semaphore, #tpu.memory_space<semaphore_mem>>) src(%dma_wait3A_35 : memref<128x16xf32, #tpu.memory_space<vmem_shared>>) dst(%arg13 : memref<128x16xf32, #tpu.memory_space<vmem>>)
      tpu.yield
    }) : () -> ()
    %scan3A_21 = arith.constant 0 : i32
    %scan3A_22 = arith.constant 0 : i32
    %scan3A_23 = arith.constant 128 : i32
    %scan3A_24 = arith.addi %scan3A_22, %scan3A_23 : i32
    %scan3A_25 = arith.constant 1 : i32
    %scan3A_26 = scf.for %scan3A_30 = %scan3A_22 to %scan3A_24 step %scan3A_25 iter_args(%scan3A_31 = %scan3A_21) -> (i32)  : i32 {
      %get3A = arith.index_cast %scan3A_30 : i32 to index
      %get3A_32 = arith.constant 0 : index
      %get3A_33 = tpu.vector_load %arg13[%get3A, %get3A_32] {strides = array<i32>} : memref<128x16xf32, #tpu.memory_space<vmem>>, vector<1x16xf32>,
      %get3A_34 = vector.shape_cast %get3A_33 : vector<1x16xf32> to vector<16xf32>
      %max3A = arith.maximumf %get3A_34, %broadcast_in_dim3A_7 : vector<16xf32>
      %div3A = arith.divf %broadcast_in_dim3A_7, %max3A : vector<16xf32>
      %get3A_35 = arith.index_cast %scan3A_30 : i32 to index
      %get3A_36 = arith.constant 0 : index
      %get3A_37 = tpu.vector_load %arg12[%get3A_35, %get3A_36] {strides = array<i32>} : memref<128x64xf32, #tpu.memory_space<vmem>>, vector<1x16xf32>,
      %get3A_38 = vector.shape_cast %get3A_37 : vector<1x16xf32> to vector<16xf32>
      %mul3A_39 = arith.mulf %get3A_38, %div3A : vector<16xf32>
      %swap3A = arith.index_cast %scan3A_30 : i32 to index
      %swap3A_40 = arith.constant 0 : index
      %swap3A_41 = tpu.vector_load %arg12[%swap3A, %swap3A_40] {strides = array<i32>} : memref<128x64xf32, #tpu.memory_space<vmem>>, vector<1x16xf32>,
      %swap3A_42 = vector.shape_cast %swap3A_41 : vector<1x16xf32> to vector<16xf32>
      %swap3A_43 = vector.shape_cast %mul3A_39 : vector<16xf32> to vector<1x16xf32>
      tpu.vector_store %arg12[%swap3A, %swap3A_40], %swap3A_43 {strides = array<i32>} : memref<128x64xf32, #tpu.memory_space<vmem>>, vector<1x16xf32>,
      %get3A_44 = arith.index_cast %scan3A_30 : i32 to index
      %get3A_45 = arith.constant 16 : index
      %get3A_46 = tpu.vector_load %arg12[%get3A_44, %get3A_45] {strides = array<i32>} : memref<128x64xf32, #tpu.memory_space<vmem>>, vector<1x16xf32>,
      %get3A_47 = vector.shape_cast %get3A_46 : vector<1x16xf32> to vector<16xf32>
      %mul3A_48 = arith.mulf %get3A_47, %div3A : vector<16xf32>
      %swap3A_49 = arith.index_cast %scan3A_30 : i32 to index
      %swap3A_50 = arith.constant 16 : index
      %swap3A_51 = tpu.vector_load %arg12[%swap3A_49, %swap3A_50] {strides = array<i32>} : memref<128x64xf32, #tpu.memory_space<vmem>>, vector<1x16xf32>,
      %swap3A_52 = vector.shape_cast %swap3A_51 : vector<1x16xf32> to vector<16xf32>
      %swap3A_53 = vector.shape_cast %mul3A_48 : vector<16xf32> to vector<1x16xf32>
      tpu.vector_store %arg12[%swap3A_49, %swap3A_50], %swap3A_53 {strides = array<i32>} : memref<128x64xf32, #tpu.memory_space<vmem>>, vector<1x16xf32>,
      %get3A_54 = arith.index_cast %scan3A_30 : i32 to index
      %get3A_55 = arith.constant 32 : index
      %get3A_56 = tpu.vector_load %arg12[%get3A_54, %get3A_55] {strides = array<i32>} : memref<128x64xf32, #tpu.memory_space<vmem>>, vector<1x16xf32>,
      %get3A_57 = vector.shape_cast %get3A_56 : vector<1x16xf32> to vector<16xf32>
      %mul3A_58 = arith.mulf %get3A_57, %div3A : vector<16xf32>
      %swap3A_59 = arith.index_cast %scan3A_30 : i32 to index
      %swap3A_60 = arith.constant 32 : index
      %swap3A_61 = tpu.vector_load %arg12[%swap3A_59, %swap3A_60] {strides = array<i32>} : memref<128x64xf32, #tpu.memory_space<vmem>>, vector<1x16xf32>,
      %swap3A_62 = vector.shape_cast %swap3A_61 : vector<1x16xf32> to vector<16xf32>
      %swap3A_63 = vector.shape_cast %mul3A_58 : vector<16xf32> to vector<1x16xf32>
      tpu.vector_store %arg12[%swap3A_59, %swap3A_60], %swap3A_63 {strides = array<i32>} : memref<128x64xf32, #tpu.memory_space<vmem>>, vector<1x16xf32>,
      %get3A_64 = arith.index_cast %scan3A_30 : i32 to index
      %get3A_65 = arith.constant 48 : index
      %get3A_66 = tpu.vector_load %arg12[%get3A_64, %get3A_65] {strides = array<i32>} : memref<128x64xf32, #tpu.memory_space<vmem>>, vector<1x16xf32>,
      %get3A_67 = vector.shape_cast %get3A_66 : vector<1x16xf32> to vector<16xf32>
      %mul3A_68 = arith.mulf %get3A_67, %div3A : vector<16xf32>
      %swap3A_69 = arith.index_cast %scan3A_30 : i32 to index
      %swap3A_70 = arith.constant 48 : index
      %swap3A_71 = tpu.vector_load %arg12[%swap3A_69, %swap3A_70] {strides = array<i32>} : memref<128x64xf32, #tpu.memory_space<vmem>>, vector<1x16xf32>,
      %swap3A_72 = vector.shape_cast %swap3A_71 : vector<1x16xf32> to vector<16xf32>
      %swap3A_73 = vector.shape_cast %mul3A_68 : vector<16xf32> to vector<1x16xf32>
      tpu.vector_store %arg12[%swap3A_69, %swap3A_70], %swap3A_73 {strides = array<i32>} : memref<128x64xf32, #tpu.memory_space<vmem>>, vector<1x16xf32>,
      %scan3A_74 = arith.constant 0 : i32
      scf.yield %scan3A_74 : i32
    }
    %scan3A_27 = arith.constant 128 : i32
    %mul3A_28 = arith.constant 128 : i32
    %mul3A_29 = arith.muli %add3A, %mul3A_28 : i32
    "tpu.region"() ({
      %run_scoped3A = tpu.sem_alloc : memref<!tpu.dma_semaphore, #tpu.memory_space<semaphore_mem>>
      %dma_start3A = arith.constant 0 : i32
      %dma_start3A_30 = tpu.memref_slice %arg5[%mul3A_29, %dma_start3A] : memref<4096x64xf32, #tpu.memory_space<hbm>> -> memref<128x64xf32, #tpu.memory_space<hbm>>
      %dma_start3A_31 = arith.constant 0 : i32
      %dma_start3A_32 = tpu.memref_slice %arg5[%mul3A_29, %dma_start3A_31] : memref<4096x64xf32, #tpu.memory_space<hbm>> -> memref<128x64xf32, #tpu.memory_space<hbm>>
      tpu.enqueue_dma source(%arg12 : memref<128x64xf32, #tpu.memory_space<vmem>>) target(%dma_start3A_32 : memref<128x64xf32, #tpu.memory_space<hbm>>) target_semaphore(%run_scoped3A : memref<!tpu.dma_semaphore, #tpu.memory_space<semaphore_mem>>)
      %dma_wait3A = arith.constant 0 : i32
      %dma_wait3A_33 = tpu.memref_slice %arg5[%mul3A_29, %dma_wait3A] : memref<4096x64xf32, #tpu.memory_space<hbm>> -> memref<128x64xf32, #tpu.memory_space<hbm>>
      %dma_wait3A_34 = arith.constant 0 : i32
      %dma_wait3A_35 = tpu.memref_slice %arg5[%mul3A_29, %dma_wait3A_34] : memref<4096x64xf32, #tpu.memory_space<hbm>> -> memref<128x64xf32, #tpu.memory_space<hbm>>
      tpu.wait_dma2 semaphore(%run_scoped3A : memref<!tpu.dma_semaphore, #tpu.memory_space<semaphore_mem>>) src(%arg12 : memref<128x64xf32, #tpu.memory_space<vmem>>) dst(%dma_wait3A_35 : memref<128x64xf32, #tpu.memory_space<hbm>>)
      tpu.yield
    }) : () -> ()
    return
  }
}

</mosaic_0001>

<sc_bundles>
// kernel: kernel.3.cloned.1.call-start
scs
__scs_entry_jumppad:
0x0: {  	(pc) =	sbr.rel $0x88, $3  }
0x1: {  	(tag) =	ssettag $0x0;
	lr =	simm.s32 $0x1  }
0x2: {  	[smem:$0x3F9E] =	sst lr;
	_ =	strace $0xD0000000  }
0x3: {  	_ = 	snop  }
0x4: {  	_ = 	snop  }
0x5: {  	_ = 	snop  }
0x6: {  	_ = 	snop  }
0x7: {  	_ = 	snop  }
__scs_overlays_trampoline_lowered:
0x8: {  	[smem:$0x3FAD] =	sst s0  }
0x9: {  	[smem:$0x3FAE] =	sst s1  }
0xa: {  	[smem:$0x3FAF] =	sst s2  }
0xb: {  	[smem:$0x3FB0] =	sst s3  }
0xc: {  	[smem:$0x3FB1] =	sst s4  }
0xd: {  	[smem:$0x3FB2] =	sst s5  }
0xe: {  	[smem:$0x3FB3] =	sst s6  }
0xf: {  	[smem:$0x3FB4] =	sst s7  }
0x10: {  	[smem:$0x3FB5] =	sst s8  }
0x11: {  	[smem:$0x3FB6] =	sst s9;
	s0 =	simm.s32 @!p0 $0x0  }
0x12: {  	s1 =	sld [smem:$0x3F9C];
	s0 =	simm.s32 @p0 $0x1  }
0x13: {  	[smem:$0x3FB7] =	sst s0;
	s0 =	simm.s32 @!p1 $0x0  }
0x14: {  	s2 =	sld [smem:$0x3F9B];
	s0 =	simm.s32 @p1 $0x1  }
0x15: {  	[smem:$0x3FB8] =	sst s0;
	s0 =	simm.s32 @!p2 $0x0  }
0x16: {  	s3 =	sld [smem:$0x3FDB];
	s0 =	simm.s32 @p2 $0x1  }
0x17: {  	s4 =	simm.s32 $0x1BF5;
	[smem:$0x3FBA] =	sst s0  }
0x18: {  	s0 =	sld [smem:$0x3F9D];
	_ =	swait.ge [sflag:s4], $0x0  }
0x19: {  	s7 =	sld [smem:$0x3F9E]  }
0x1a: {  	s8 =	sadd.s32 $0xFFFFE003, lr  }
0x1b: {  	s9 =	sadd.s32 $0xFFFFFEF7, lr;
	s5 =	simm.s32 $0xFFFFFFFF;
	p2 =	slt.u32 s8, $0xFFFFF086  }
0x1c: {  	p1 =	slt.u32 s9, $0xF7A;
	s5 =	simm.s32 @!p2 $0x0  }
0x1d: {  	s5 =	simm.s32 @p1 $0x1;
	p0 =	seq.s32 s7, s2  }
0x1e: {  	s7 =	smul.u32 @!p0 $0xF7A, s2;
	p2 =	seq.s32 @!p0 s5, $0x0  }
0x1f: {  	s9 =	smul.u32 $0xF7A, s1;
	s8 =	simm.s32 @!p0 $0x1BF5;
	p2 =	por !p2, p0  }
0x20: {  	[sflag:s8] =	ssyncset.s32 @!p0 $0xFFFFF086;
	s6 =	sadd.s32 @!p0 s3, s7;
	s7 =	simm.s32 @!p0 $0x108  }
0x21: {  	s3 =	sadd.s32 s3, s9;
	s6 =	sadd.s32 @!p0 $0x88, s6;
	s7 =	simm.s32 @p2 $0x1082  }
0x22: {  	[simem:s7], [sflag:s8] =	dma.local @!p0 [hbm:s6], $0xF7A  }
0x23: {  	s9 =	sor.u32 $0xD0000000, s2;
	s6 =	simm.s32 $0x108;
	_ =	swait.ge @!p0 [sflag:s8], $0x0  }
0x24: {  	s3 =	sadd.s32 $0x88, s3;
	s6 =	simm.s32 @!p1 $0x1082;
	[sflag:s4] =	ssyncset.s32 $0xFFFFF086  }
0x25: {  	[simem:s6], [sflag:s4] =	dma.local [hbm:s3], $0xF7A  }
0x26: {  	[smem:$0x3F9E] =	sst s1;
	(tag) =	ssettag s2;
	_ =	strace s9  }
0x27: {  	s1 =	sld [smem:$0x3FAE]  }
0x28: {  	s2 =	sld [smem:$0x3FAF]  }
0x29: {  	s4 =	sld [smem:$0x3FB1]  }
0x2a: {  	p0 =	seq.s32 s5, $0x0;
	s5 =	sld [smem:$0x3FB2]  }
0x2b: {  	s6 =	sld [smem:$0x3FB3]  }
0x2c: {  	s7 =	sld [smem:$0x3FB4]  }
0x2d: {  	s3 =	simm.s32 $0x108;
	s8 =	sld [smem:$0x3FB5]  }
0x2e: {  	s3 =	simm.s32 @!p0 $0x1082;
	s9 =	sld [smem:$0x3FB6]  }
0x2f: {  	lr =	sadd.s32 s0, s3;
	s0 =	sld [smem:$0x3FAD]  }
0x30: {  	s3 =	sld [smem:$0x3FB0]  }
0x31: {  	[smem:$0x3FB9] =	sst s10  }
0x32: {  	s10 =	sld [smem:$0x3FB7];
	_ =	sdelay $0x3  }
0x33: {  	p0 =	seq.s32 s10, $0x1;
	s10 =	sld [smem:$0x3FB9];
	_ =	sdelay $0x3  }
0x34: {  	[smem:$0x3FB9] =	sst s10  }
0x35: {  	s10 =	sld [smem:$0x3FB8];
	_ =	sdelay $0x3  }
0x36: {  	p1 =	seq.s32 s10, $0x1;
	s10 =	sld [smem:$0x3FB9];
	_ =	sdelay $0x3  }
0x37: {  	[smem:$0x3FB9] =	sst s10  }
0x38: {  	s10 =	sld [smem:$0x3FBA]  }
0x39: {  	_ = 	snop;
	(pc) =	sbr.ind lr, $3  }
0x3a: {  	_ = 	snop  }
0x3b: {  	_ = 	snop  }
0x3c: {  	p2 =	seq.s32 s10, $0x1;
	s10 =	sld [smem:$0x3FB9]  }
0x3d: {  	_ =	shalt  }
0x3e: {  	_ =	shalt  }
0x3f: {  	_ =	shalt  }
0x40: {  	_ =	shalt  }
0x41: {  	_ =	shalt  }
0x42: {  	_ =	shalt  }
0x43: {  	_ =	shalt  }
0x44: {  	_ =	shalt  }
0x45: {  	_ =	shalt  }
0x46: {  	_ =	shalt  }
0x47: {  	_ =	shalt  }
0x48: {  	_ =	shalt  }
0x49: {  	_ =	shalt  }
0x4a: {  	_ =	shalt  }
0x4b: {  	_ =	shalt  }
0x4c: {  	_ =	shalt  }
0x4d: {  	_ =	shalt  }
0x4e: {  	_ =	shalt  }
0x4f: {  	_ =	shalt  }
0x50: {  	_ =	shalt  }
0x51: {  	_ =	shalt  }
0x52: {  	_ =	shalt  }
0x53: {  	_ =	shalt  }
0x54: {  	_ =	shalt  }
0x55: {  	_ =	shalt  }
0x56: {  	_ =	shalt  }
0x57: {  	_ =	shalt  }
0x58: {  	_ =	shalt  }
0x59: {  	_ =	shalt  }
0x5a: {  	_ =	shalt  }
0x5b: {  	_ =	shalt  }
0x5c: {  	_ =	shalt  }
0x5d: {  	_ =	shalt  }
0x5e: {  	_ =	shalt  }
0x5f: {  	_ =	shalt  }
0x60: {  	_ =	shalt  }
0x61: {  	_ =	shalt  }
0x62: {  	_ =	shalt  }
0x63: {  	_ =	shalt  }
0x64: {  	_ =	shalt  }
0x65: {  	_ =	shalt  }
0x66: {  	_ =	shalt  }
0x67: {  	_ =	shalt  }
0x68: {  	_ =	shalt  }
0x69: {  	_ =	shalt  }
0x6a: {  	_ =	shalt  }
0x6b: {  	_ =	shalt  }
0x6c: {  	_ =	shalt  }
0x6d: {  	_ =	shalt  }
0x6e: {  	_ =	shalt  }
0x6f: {  	_ =	shalt  }
0x70: {  	_ =	shalt  }
0x71: {  	_ =	shalt  }
0x72: {  	_ =	shalt  }
0x73: {  	_ =	shalt  }
0x74: {  	_ =	shalt  }
0x75: {  	_ =	shalt  }
0x76: {  	_ =	shalt  }
0x77: {  	_ =	shalt  }
0x78: {  	_ =	shalt  }
0x79: {  	_ =	shalt  }
0x7a: {  	_ =	shalt  }
0x7b: {  	_ =	shalt  }
0x7c: {  	_ =	shalt  }
0x7d: {  	_ =	shalt  }
0x7e: {  	_ =	shalt  }
0x7f: {  	_ =	shalt  }
0x80: {  	_ =	shalt  }
0x81: {  	_ =	shalt  }
0x82: {  	_ =	shalt  }
0x83: {  	_ =	shalt  }
0x84: {  	_ =	shalt  }
0x85: {  	_ =	shalt  }
0x86: {  	_ =	shalt  }
0x87: {  	_ =	shalt  }
.Lfunc_end0:
.L_simem_size_0:
called_computation.1_lowered:
.L_overlay_start_0:
0x88: {  	s2 =	sld [smem:$0x3FD9]  }
0x89: {  	s3 =	sld [smem:$0x3FFE];
	_ =	sdelay $0x1  }
0x8a: {  	s1 =	srdreg.scid  }
0x8b: {  	s0 =	sand.u32 $0x1, s1  }
0x8c: {  	s14 =	sshll.u32 s0, $0xA;
	s2 =	sadd.s32 s3, s2  }
0x8d: {  	s2 =	sadd.s32 s2, s14  }
0x8e: {  	[smem:$0x3FC5] =	sst s2  }
0x8f: {  	_ = 	snop  }
0x90: {  	s2 =	sld [smem:$0x3FD0];
	_ =	sdelay $0x2  }
0x91: {  	s15 =	simm.s32 $0xA;
	s4 =	simm.s32 $0x10  }
0x92: {  	[smem:s4], [sflag:s15] =	dma.local [hbm:s2], $0x1  }
0x93: {  	_ =	swait.eq [sflag:s15], $0x1  }
0x94: {  	[sflag:s15] =	ssyncset.done $0x0  }
0x95: {  	s16 =	sld [smem:$0x10];
	[sflag:s15] =	ssyncadd.s32 $0xFFFFFFFF  }
0x96: {  	s17 =	sld [smem:$0x11];
	(tm) =	ssettm $0x1  }
0x97: {  	s18 =	sld [smem:$0x3FFB];
	_ =	sdelay $0x3  }
0x98: {  	_ =	strace s18  }
0x99: {  	s4 =	sld [smem:$0x3FFC];
	_ =	sdelay $0x3  }
0x9a: {  	_ =	strace s4  }
0x9b: {  	s4 =	sld [smem:$0x3FFD];
	_ =	sdelay $0x3  }
0x9c: {  	_ =	strace s4  }
0x9d: {  	_ =	strace $0x8FFFFFFF  }
0x9e: {  	s19 =	sld [smem:$0x3FDB];
	_ =	sdelay $0x1  }
0x9f: {  	s5 =	simm.s32 $_scs_section_size  }
0xa0: {  	s6 =	simm.s32 $_size__tile_overlayer_lowered;
	s7 =	simm.s32 $_tile_overlayer_lowered  }
0xa1: {  	s22 =	simm.s32 $0x1BFF;
	s21 =	sshll.u32 s7, $0x1;
	s4 =	sadd.s32 s5, s19  }
0xa2: {  	s8 =	simm.s32 $0x0;
	s20 =	sshll.u32 s6, $0x1;
	s6 =	sadd.s32 s21, s4  }
0xa3: {  	[timem:s8], [sflag:s22] =	dma.local [hbm:s6], s20  }
0xa4: {  	_ =	swait.ge [sflag:s22], s20  }
0xa5: {  	s5 =	ssub.s32 $0x0, s20;
	[sflag:s22] =	ssyncset.done $0x0  }
0xa6: {  	[sflag:s22] =	ssyncadd.s32 s5;
	_ =	sdelay $0x1  }
0xa7: {  	s23 =	simm.s32 $0x1B8B  }
0xa8: {  	_ =	swait.ge [sflag:s23], $0x1  }
0xa9: {  	[sflag:s23] =	ssyncset.done $0x0  }
0xaa: {  	s25 =	simm.s32 $0x1B8E;
	s24 =	sld [smem:$0x3FFE];
	[sflag:s23] =	ssyncadd.s32 $0xFFFFFFFF  }
0xab: {  	s26 =	simm.s32 $execute0_lowered;
	[smem:$0x3FD2] =	sst s25  }
0xac: {  	s6 =	sshll.u32 s26, $0x1;
	_ =	strace $0x80000046;
	[dreg:$0x1] =	wrdreg $0xFFFFFFFF  }
0xad: {  	s28 =	simm.s32 $_size_execute0_lowered;
	s4 =	sadd.s32 s4, s6;
	[dreg:$0x0] =	wrdreg $0x0  }
0xae: {  	s6 =	sshll.u32 s28, $0x1;
	[dreg:$0x2] =	wrdreg s4  }
0xaf: {  	[dreg:$0x3] =	wrdreg s6  }
0xb0: {  	[dreg:$0x4] =	wrdreg $0xC0  }
0xb1: {  	_ =	task [dreg:s8], $0x5FFFF  }
0xb2: {  	[dreg:$0x1] =	wrdreg $0xFFFFFFFF  }
0xb3: {  	[dreg:$0x0] =	wrdreg $0x60  }
0xb4: {  	[dreg:$0x2] =	wrdreg s24  }
0xb5: {  	[dreg:$0x3] =	wrdreg s16  }
0xb6: {  	[dreg:$0x4] =	wrdreg s17  }
0xb7: {  	[dreg:$0x5] =	wrdreg $0x51800  }
0xb8: {  	[dreg:$0x6] =	wrdreg $0x71A00  }
0xb9: {  	[dreg:$0x7] =	wrdreg $0x9  }
0xba: {  	_ =	task.clear_ibuf [dreg:s8], $0x8FFFF;
	_ =	strace $0x90000046  }
0xbb: {  	s29 =	simm.s32 $0x9;
	_ =	strace $0x80000048  }
0xbc: {  	_ =	swait.ge [sflag:s29], $0x1  }
0xbd: {  	[sflag:s29] =	ssyncadd.s32 $0xFFFFFFFF  }
0xbe: {  	_ =	strace $0x90000048  }
0xbf: {  	_ =	sfence  }
0xc0: {  	s30 =	sld [smem:$0x0];
	_ =	sdelay $0x2  }
0xc1: {  	s31 =	sshll.u32 s1, $0xD;
	s1 =	sshrl.u32 s1, $0x2  }
0xc2: {  	s3 =	sand.u32 $0x4000, s31;
	s1 =	sadd.s32 s1, s30  }
0xc3: {  	s0 =	sor.u32 s3, s0;
	s1 =	sshll.u32 s1, $0x11  }
0xc4: {  	s0 =	sor.u32 s1, s0  }
0xc5: {  	s0 =	sadd.s32 $0x8F2B, s0  }
0xc6: {  	[sflag:s0] =	ssyncadd.remote.s32 $0x1  }
0xc7: {  	_ =	sfence.sel $0xFFFF  }
0xc8: {  	[dreg:$0x0] =	wrdreg $0xFFFFFFFF;
	(pc) =	sbr.abs _section_cstart, $3  }
0xc9: {  	[dreg:$0x1] =	wrdreg $0xFFFFFFFF  }
0xca: {  	_ =	task.clear_ibuf [dreg:s8], $0x2FFFF;
	_ =	strace $0x9FFFFFFF  }
0xcb: {  	(tm) =	ssettm $0x7FFFFFFF  }
tec
execute0_lowered:
.L_overlay_start_1:
0x0: {  	(tag) =	ssettag $0x1  }
0x1: {  	s5 =	rddreg [dreg:$0x0]  }
0x2: {  	s8 =	rddreg [dreg:$0x1]  }
0x3: {  	s10 =	rddreg [dreg:$0x2]  }
0x4: {  	s2 =	rddreg [dreg:$0x3]  }
0x5: {  	s3 =	rddreg [dreg:$0x4]  }
0x6: {  	s0 =	srdreg.scid;
	s1 =	rddreg [dreg:$0x5]  }
0x7: {  	s4 =	simm.s32 $0x0;
	s17 =	simm.s32 $0x180;
	s18 =	simm.s32 $0x1  }
0x8: {  	s19 =	simm.s32 $0x100;
	s20 =	simm.s32 $0x2180;
	s7 =	sand.u32 $0x1, s0  }
0x9: {  	s21 =	simm.s32 $0x0;
	s0 =	stileid.u32;
	s6 =	smul.u32 $0x19000, s7  }
0xa: {  	[smem:$0x7FF] =	sst s4;
	s9 =	smul.u32 $0x1900, s0;
	s26 =	ssub.s32 $0x2, s7  }
0xb: {  	_ =	strace $0x80000047;
	s29 =	sshll.u32 s0, $0xD;
	s16 =	sshll.u32 s0, $0x7  }
0xc: {  	s11 =	sshll.u32 s0, $0xB;
	s13 =	sshll.u32 s0, $0xA;
	s15 =	smul.u32 $0xC8000, s7  }
0xd: {  	s14 =	sshll.u32 s7, $0xE;
	s31 =	smul.u32 $0xC800, s0;
	s28 =	sshrl.u32 s26, $0x1  }
0xe: {  	s7 =	sadd.s32 s11, s3;
	s30 =	sor.u32 s13, s14;
	s13 =	simm.s32 $0x2980  }
0xf: {  	s14 =	simm.s32 $0x2;
	v0 =	vmov s16;
	s16 =	simm.s32 $0x80;
	s6 =	sadd.s32 s9, s6  }
0x10: {  	s9 =	ssub.s32 s26, s28;
	s8 =	sadd.s32 s8, s30;
	s10 =	sadd.s32 s15, s10  }
0x11: {  	s15 =	simm.s32 $0x4980;
	s6 =	sshrl.u32 s6, $0x3;
	s9 =	smax.u32 s9, $0x1  }
0x12: {  	v3 =	vlaneseq.u32;
	s10 =	sadd.s32 s31, s10;
	s12 =	sadd.s32 s6, s5;
	s5 =	sadd.s32 $0xD600, s5  }
0x13: {  	v1 =	vimm.f32 $0.0e+00;
	v2 =	vimm.f32 $1.000000000e+00;
	v3 =	vmul.u32 $0x147B, v3;
	s6 =	sadd.s32 s29, s2;
	s11 =	sadd.s32 $0xE00, s12;
	s12 =	sadd.s32 $0x7200, s12  }
.LBB2_1:
0x14: {  	s22 =	simm.s32 $0x29A0  }
0x15: {  	[tilespmem:s22+$0xFFFFFFE0] =	vst v1  }
0x16: {  	[tilespmem:s22+$0x10] =	vst v1  }
0x17: {  	[tilespmem:s22+$0x0] =	vst v1  }
0x18: {  	s24 =	simm.s32 $0x40;
	s23 =	simm.s32 $0x0;
	[tilespmem:s22+$0xFFFFFFF0] =	vst v1  }
.LBB2_2:
0x19: {  	p0 =	sne.s32 s24, $0x1FC0  }
0x1a: {  	[tilespmem:s23+$0x4980] =	vst v1;
	s22 =	sadd.s32 $0x40, s22;
	s25 =	smov.u32 s24;
	s24 =	sadd.s32 $0x40, s24  }
.Ltmp0:
0x1b: {  	[tilespmem:s23+$0x2180] =	vst v2;
	(pc) =	sbr.rel @p0 .LBB2_2-.Ltmp0, $4  }
0x1c: {  	[tilespmem:s22+$0xFFFFFFE0] =	vst v1  }
0x1d: {  	[tilespmem:s22+$0x10] =	vst v1  }
0x1e: {  	[tilespmem:s22+$0x0] =	vst v1  }
0x1f: {  	s23 =	sshra.s32 s25, $0x2;
	[tilespmem:s22+$0xFFFFFFF0] =	vst v1  }
0x20: {  	s22 =	simm.s32 $0x70;
	s24 =	simm.s32 $0x60  }
0x21: {  	s25 =	simm.s32 $0x50;
	s26 =	simm.s32 $0x30;
	s30 =	simm.s32 $0x20;
	v4 =	vmov s22;
	v5 =	vmov s24  }
0x22: {  	v6 =	vmov s25;
	v7 =	vmov s26;
	v9 =	vmov s30  }
0x23: {  	s25 =	simm.s32 $0xD0;
	v4 =	vmul.u32 $0x147B, v4;
	v5 =	vmul.u32 $0x147B, v5;
	v6 =	vmul.u32 $0x147B, v6  }
0x24: {  	s26 =	simm.s32 $0xB0;
	s30 =	simm.s32 $0xA0;
	v7 =	vmul.u32 $0x147B, v7;
	v9 =	vmul.u32 $0x147B, v9;
	v14 =	vmov s25  }
0x25: {  	[tilespmem:s23+$0x4980] =	vst v1;
	v15 =	vmov s26;
	v17 =	vmov s30;
	v14 =	vmul.u32 $0x147B, v14  }
0x26: {  	[tilespmem:s23+$0x2180] =	vst v2;
	s29 =	simm.s32 $0x0;
	v15 =	vmul.u32 $0x147B, v15;
	v4 =	vbroadcast v4, $0x0;
	v5 =	vbroadcast v5, $0x0  }
0x27: {  	[spmem:s6] =	stream.linear.scatter [tilespmem:s13], [sflag:$0x2], $0x2000, $0x38;
	v17 =	vmul.u32 $0x147B, v17;
	v8 =	vbroadcast v6, $0x0;
	v6 =	vbroadcast v7, $0x0;
	[tilespmem:$0x79A8] =	vst v63  }
0x28: {  	_ =	swait.ge [sflag:s14], $0x2000;
	v7 =	vmov s29;
	v9 =	vbroadcast v9, $0x0;
	v14 =	vbroadcast v14, $0x0  }
0x29: {  	[sflag:s14] =	ssyncset.done $0x0;
	v7 =	vmul.u32 $0x147B, v7;
	v15 =	vbroadcast v15, $0x0;
	v19 =	vbroadcast v17, $0x0  }
0x2a: {  	s31 =	simm.s32 $0x40;
	[sflag:s14] =	ssyncadd.s32 $0xFFFFE000;
	v4 =	vadd.s32 v3, v4;
	v5 =	vadd.s32 v3, v5;
	v6 =	vadd.s32 v3, v6  }
0x2b: {  	[spmem:s7] =	stream.linear.scatter [tilespmem:s15], [sflag:$0x2], $0x800, $0x38;
	v8 =	vadd.s32 v3, v8;
	v10 =	vbroadcast v7, $0x0;
	v7 =	vmov s31;
	[tilespmem:$0x79A8] =	vst v63  }
0x2c: {  	s23 =	simm.s32 $0x10;
	_ =	swait.ge [sflag:s14], $0x800;
	v9 =	vadd.s32 v3, v9;
	v8 =	vshra.s32 v8, $0x12;
	v11 =	vmul.u32 $0x147B, v7  }
0x2d: {  	[sflag:s14] =	ssyncset.done $0x0;
	v7 =	vadd.s32 v0, v8;
	v8 =	vadd.s32 v3, v10;
	v10 =	vmov s23  }
0x2e: {  	s24 =	simm.s32 $0xE0;
	[sflag:s14] =	ssyncadd.s32 $0xFFFFF800;
	v11 =	vbroadcast v11, $0x0;
	v8 =	vshrl.u32 v8, $0x12;
	v13 =	vmul.u32 $0x147B, v10  }
0x2f: {  	v4 =	vshra.s32 v4, $0x12;
	v12 =	vshra.s32 v9, $0x12;
	[tilespmem:s4], [sflag:$0x2] =	stream.linear.gather [hbm4b:s12+s4], $0x80, $0x38;
	v9 =	vadd.s32 v0, v8;
	[tilespmem:$0x79A8] =	vst v63  }
0x30: {  	s22 =	simm.s32 $0xF0;
	_ =	swait.ge [sflag:s14], $0x80;
	v8 =	vadd.s32 v3, v11;
	v11 =	vbroadcast v13, $0x0;
	v13 =	vmov s24  }
0x31: {  	v10 =	vadd.s32 v0, v12;
	v12 =	vmov s22;
	[sflag:s14] =	ssyncset.done $0x0;
	v13 =	vmul.u32 $0x147B, v13  }
0x32: {  	v5 =	vshra.s32 v5, $0x12;
	v6 =	vshra.s32 v6, $0x12;
	v12 =	vmul.u32 $0x147B, v12;
	[sflag:s14] =	ssyncadd.s32 $0xFFFFFF80  }
0x33: {  	v15 =	vadd.s32 v3, v15;
	v4 =	vadd.s32 v0, v4;
	[tilespmem:s16], [sflag:$0x2] =	stream.linear.gather [hbm4b:s11+s4], $0x80, $0x38;
	v13 =	vbroadcast v13, $0x0;
	[tilespmem:$0x79A8] =	vst v63  }
0x34: {  	v5 =	vadd.s32 v0, v5;
	v8 =	vshra.s32 v8, $0x12;
	v12 =	vbroadcast v12, $0x0;
	_ =	swait.ge [sflag:s14], $0x80  }
0x35: {  	s29 =	simm.s32 $0x80;
	v15 =	vshra.s32 v15, $0x12;
	v8 =	vadd.s32 v0, v8;
	[sflag:s14] =	ssyncset.done $0x0;
	v13 =	vadd.s32 v3, v13  }
0x36: {  	v12 =	vadd.s32 v3, v12;
	[sflag:s14] =	ssyncadd.s32 $0xFFFFFF80;
	v16 =	vshra.s32 v13, $0x12;
	v13 =	vmov s29  }
0x37: {  	v11 =	vadd.s32 v3, v11;
	v12 =	vshra.s32 v12, $0x12;
	[tilespmem:s17], [sflag:$0x1] =	stream.indirect.gather [hbm4b:s5+s16], $0x40, s4, s16, $0xb8;
	v18 =	vmul.u32 $0x147B, v13;
	[tilespmem:$0x79A8] =	vst v63  }
0x38: {  	s28 =	simm.s32 $0x170;
	s26 =	sadd.s32 $0x10, s11;
	v11 =	vshra.s32 v11, $0x12;
	_ =	swait.ge [sflag:s18], $0x2000;
	v13 =	vadd.s32 v0, v12;
	v12 =	vadd.s32 v3, v14  }
0x39: {  	s25 =	smov.u32 s26;
	s31 =	simm.s32 $0xC0;
	v11 =	vadd.s32 v0, v11;
	[sflag:s18] =	ssyncset.done $0x0;
	v14 =	vshra.s32 v12, $0x12;
	v18 =	vbroadcast v18, $0x0  }
0x3a: {  	s23 =	sadd.s32 $0x400, s10;
	s24 =	sadd.s32 $0x10, s12;
	[sflag:s18] =	ssyncadd.s32 $0xFFFFE000;
	v12 =	vadd.s32 v0, v16;
	v16 =	vmov s31;
	v14 =	vadd.s32 v0, v14  }
0x3b: {  	[hbm4b:s10+s4] =	stream.linear.scatter [tilespmem:s17], [sflag:$0x2], $0x2000, $0x38;
	v16 =	vmul.u32 $0x147B, v16;
	v17 =	vadd.s32 v3, v18;
	v18 =	vadd.s32 v3, v19;
	[tilespmem:$0x79A8] =	vst v63  }
.LBB2_4:
0x3c: {  	p0 =	sne.s32 s28, $0x18F0;
	_ =	swait.ge [sflag:s14], $0x2000  }
0x3d: {  	v17 =	vshrl.u32 v17, $0x12;
	v18 =	vshra.s32 v18, $0x12;
	s30 =	smov.u32 s28;
	s28 =	sadd.s32 $0x80, s28;
	s29 =	smov.u32 s23  }
0x3e: {  	v16 =	vbroadcast v16, $0x0;
	[sflag:s14] =	ssyncset.done $0x0  }
0x3f: {  	v17 =	vadd.s32 v0, v17;
	v18 =	vadd.s32 v0, v18;
	[sflag:s14] =	ssyncadd.s32 $0xFFFFE000  }
0x40: {  	v19 =	vld [tilespmem:$0xB0]  }
0x41: {  	v16 =	vadd.s32 v3, v16;
	v20 =	vld [tilespmem:$0xA0]  }
0x42: {  	s31 =	sadd.s32 $0xFFFFFFA0, s22;
	s22 =	smov.u32 s30;
	v16 =	vshra.s32 v16, $0x12;
	v21 =	vld [tilespmem:$0x80]  }
0x43: {  	v22 =	vmov s31;
	v16 =	vadd.s32 v0, v16;
	v23 =	vld [tilespmem:$0xF0]  }
0x44: {  	v22 =	vmul.u32 $0x147B, v22;
	v24 =	vld [tilespmem:$0xD0]  }
0x45: {  	v25 =	vld [tilespmem:$0x90]  }
0x46: {  	v22 =	vbroadcast v22, $0x0;
	vm0 =	veq.s32 v20, $0x0;
	v20 =	vadd.s32 v0, v6;
	v26 =	vld [tilespmem:$0xC0];
	v6 =	vmovc v15  }
0x47: {  	vm1 =	veq.s32 v21, $0x0;
	v15 =	vsel vm0, $0x800, v10;
	vm0 =	veq.s32 v19, $0x0;
	v19 =	vld [tilespmem:$0xE0];
	v10 =	vmovc v18  }
0x48: {  	v18 =	vsel vm1, $0x800, v9;
	[tilespmem:$0x120] =	vst v15;
	v15 =	vsel vm0, $0x800, v20;
	vm0 =	veq.s32 v23, $0x0;
	v9 =	vmovc v17  }
0x49: {  	[tilespmem:$0x100] =	vst v18;
	vm1 =	veq.s32 v24, $0x0;
	v17 =	vsel vm0, $0x800, v4;
	v4 =	vmov v13  }
0x4a: {  	v13 =	vadd.s32 v3, v22;
	vm0 =	veq.s32 v25, $0x0;
	v18 =	vsel vm1, $0x800, v7;
	[tilespmem:$0x170] =	vst v17;
	v7 =	vmovc v14  }
0x4b: {  	v13 =	vshra.s32 v13, $0x12;
	v14 =	vsel vm0, $0x800, v11;
	[tilespmem:$0x130] =	vst v15;
	vm0 =	veq.s32 v26, $0x0  }
0x4c: {  	v11 =	vadd.s32 v0, v13;
	v13 =	vsel vm0, $0x800, v8;
	[tilespmem:$0x150] =	vst v18;
	vm0 =	veq.s32 v19, $0x0;
	v8 =	vmovc v16  }
0x4d: {  	[tilespmem:$0x140] =	vst v13;
	v13 =	vsel vm0, $0x800, v5;
	v5 =	vmov v12  }
0x4e: {  	[tilespmem:$0x160] =	vst v13  }
0x4f: {  	[tilespmem:$0x110] =	vst v14  }
0x50: {  	[spmem:s2] =	stream.indirect.scatter.add.f32 [tilespmem:s17], [sflag:$0x2], $0x40, s19, s16, $0xb8;
	[tilespmem:$0x79A8] =	vst v63  }
0x51: {  	_ =	swait.ge [sflag:s14], $0x2000  }
0x52: {  	[sflag:s14] =	ssyncset.done $0x0  }
0x53: {  	s30 =	sadd.s32 $0xFFFFFFF0, s22;
	[sflag:s14] =	ssyncadd.s32 $0xFFFFE000  }
0x54: {  	v12 =	vmov s22;
	[spmem:s3] =	stream.indirect.scatter.add.f32 [tilespmem:s20], [sflag:$0x2], $0x10, s19, s16, $0xb8;
	[tilespmem:$0x79A8] =	vst v63  }
0x55: {  	s31 =	sadd.s32 $0xFFFFFFE0, s22;
	v13 =	vmov s30;
	v12 =	vmul.u32 $0x147B, v12;
	_ =	swait.ge [sflag:s14], $0x800  }
0x56: {  	s30 =	sadd.s32 $0xFFFFFFC0, s22;
	v14 =	vmov s31;
	v13 =	vmul.u32 $0x147B, v13;
	[sflag:s14] =	ssyncset.done $0x0  }
0x57: {  	s23 =	sadd.s32 $0x400, s23;
	s26 =	sadd.s32 $0x10, s26;
	v15 =	vmov s30;
	v14 =	vmul.u32 $0x147B, v14;
	v12 =	vbroadcast v12, $0x0;
	[sflag:s14] =	ssyncadd.s32 $0xFFFFF800  }
0x58: {  	v15 =	vmul.u32 $0x147B, v15;
	v13 =	vbroadcast v13, $0x0;
	[tilespmem:s4], [sflag:$0x2] =	stream.linear.gather [hbm4b:s24+s4], $0x80, $0x38;
	[tilespmem:$0x79A8] =	vst v63  }
0x59: {  	v14 =	vbroadcast v14, $0x0;
	v12 =	vadd.s32 v3, v12;
	_ =	swait.ge [sflag:s14], $0x80  }
0x5a: {  	v15 =	vbroadcast v15, $0x0;
	v13 =	vadd.s32 v3, v13;
	v12 =	vshra.s32 v12, $0x12;
	s24 =	sadd.s32 $0x10, s24;
	[sflag:s14] =	ssyncset.done $0x0  }
0x5b: {  	v16 =	vshra.s32 v13, $0x12;
	v13 =	vadd.s32 v0, v12;
	[sflag:s14] =	ssyncadd.s32 $0xFFFFFF80  }
0x5c: {  	v12 =	vadd.s32 v3, v15;
	[tilespmem:s16], [sflag:$0x2] =	stream.linear.gather [hbm4b:s25+s4], $0x80, $0x38;
	[tilespmem:$0x79A8] =	vst v63  }
0x5d: {  	v15 =	vshra.s32 v12, $0x12;
	v12 =	vadd.s32 v0, v16;
	s25 =	smov.u32 s26;
	_ =	swait.ge [sflag:s14], $0x80  }
0x5e: {  	s30 =	sadd.s32 $0xFFFFFF90, s22;
	s31 =	sadd.s32 $0xFFFFFFB0, s22;
	v14 =	vadd.s32 v3, v14;
	[sflag:s14] =	ssyncset.done $0x0  }
0x5f: {  	v17 =	vmov s31;
	v16 =	vmov s30;
	v14 =	vshra.s32 v14, $0x12;
	[sflag:s14] =	ssyncadd.s32 $0xFFFFFF80  }
0x60: {  	[tilespmem:s17], [sflag:$0x1] =	stream.indirect.gather [hbm4b:s5+s16], $0x40, s4, s16, $0xb8;
	[tilespmem:$0x79A8] =	vst v63  }
.Ltmp1:
0x61: {  	v17 =	vmul.u32 $0x147B, v17;
	v16 =	vmul.u32 $0x147B, v16;
	v14 =	vadd.s32 v0, v14;
	(pc) =	sbr.rel @p0 .LBB2_4-.Ltmp1, $4  }
0x62: {  	s30 =	sadd.s32 $0xFFFFFFD0, s22;
	_ =	swait.ge [sflag:s18], $0x2000  }
0x63: {  	v19 =	vbroadcast v17, $0x0;
	v18 =	vbroadcast v16, $0x0;
	v16 =	vmov s30;
	[sflag:s18] =	ssyncset.done $0x0  }
0x64: {  	v16 =	vmul.u32 $0x147B, v16;
	[sflag:s18] =	ssyncadd.s32 $0xFFFFE000  }
0x65: {  	v17 =	vadd.s32 v3, v18;
	v18 =	vadd.s32 v3, v19;
	[hbm4b:s29+s4] =	stream.linear.scatter [tilespmem:s17], [sflag:$0x2], $0x2000, $0x38;
	[tilespmem:$0x79A8] =	vst v63  }
0x66: {  	_ =	swait.ge [sflag:s14], $0x2000  }
0x67: {  	[sflag:s14] =	ssyncset.done $0x0  }
0x68: {  	[sflag:s14] =	ssyncadd.s32 $0xFFFFE000  }
0x69: {  	v19 =	vld [tilespmem:$0xA0]  }
0x6a: {  	v20 =	vld [tilespmem:$0x80]  }
0x6b: {  	v21 =	vld [tilespmem:$0xF0]  }
0x6c: {  	v22 =	vld [tilespmem:$0xB0]  }
0x6d: {  	v46 =	vld [tilespmem:$0xC0]  }
0x6e: {  	v23 =	vld [tilespmem:$0xD0];
	vm0 =	veq.s32 v19, $0x0  }
0x6f: {  	v47 =	vld [tilespmem:$0xE0];
	vm1 =	veq.s32 v20, $0x0;
	v10 =	vsel vm0, $0x800, v10  }
0x70: {  	v24 =	vld [tilespmem:$0x90];
	vm14 =	veq.s32 v21, $0x0;
	v9 =	vsel vm1, $0x800, v9;
	[tilespmem:$0x120] =	vst v10  }
0x71: {  	v6 =	vadd.s32 v0, v6;
	vm15 =	veq.s32 v22, $0x0;
	v4 =	vsel vm14, $0x800, v4;
	[tilespmem:$0x100] =	vst v9  }
0x72: {  	vm5 =	veq.s32 v46, $0x0;
	v6 =	vsel vm15, $0x800, v6;
	[tilespmem:$0x170] =	vst v4  }
0x73: {  	vm4 =	veq.s32 v23, $0x0;
	v48 =	vsel vm5, $0x800, v8;
	[tilespmem:$0x130] =	vst v6  }
0x74: {  	vm6 =	veq.s32 v47, $0x0;
	v4 =	vsel vm4, $0x800, v7;
	[tilespmem:$0x140] =	vst v48  }
0x75: {  	vm7 =	veq.s32 v24, $0x0;
	[tilespmem:$0x150] =	vst v4;
	v4 =	vsel vm6, $0x800, v5  }
0x76: {  	v5 =	vsel vm7, $0x800, v11;
	[tilespmem:$0x160] =	vst v4  }
0x77: {  	[tilespmem:$0x110] =	vst v5  }
0x78: {  	[spmem:s2] =	stream.indirect.scatter.add.f32 [tilespmem:s17], [sflag:$0x2], $0x40, s19, s16, $0xb8;
	[tilespmem:$0x79A8] =	vst v63  }
0x79: {  	_ =	swait.ge [sflag:s14], $0x2000  }
0x7a: {  	[sflag:s14] =	ssyncset.done $0x0  }
0x7b: {  	[sflag:s14] =	ssyncadd.s32 $0xFFFFE000  }
0x7c: {  	[spmem:s3] =	stream.indirect.scatter.add.f32 [tilespmem:s20], [sflag:$0x2], $0x10, s19, s16, $0xb8;
	[tilespmem:$0x79A8] =	vst v63  }
0x7d: {  	_ =	swait.ge [sflag:s14], $0x800  }
0x7e: {  	[sflag:s14] =	ssyncset.done $0x0  }
0x7f: {  	[sflag:s14] =	ssyncadd.s32 $0xFFFFF800  }
0x80: {  	[tilespmem:s4], [sflag:$0x2] =	stream.linear.gather [hbm4b:s24+s4], $0x80, $0x38;
	[tilespmem:$0x79A8] =	vst v63  }
0x81: {  	_ =	swait.ge [sflag:s14], $0x80  }
0x82: {  	[sflag:s14] =	ssyncset.done $0x0  }
0x83: {  	[sflag:s14] =	ssyncadd.s32 $0xFFFFFF80  }
0x84: {  	[tilespmem:s16], [sflag:$0x2] =	stream.linear.gather [hbm4b:s25+s4], $0x80, $0x38;
	[tilespmem:$0x79A8] =	vst v63  }
0x85: {  	_ =	swait.ge [sflag:s14], $0x80  }
0x86: {  	[sflag:s14] =	ssyncset.done $0x0  }
0x87: {  	[sflag:s14] =	ssyncadd.s32 $0xFFFFFF80  }
0x88: {  	[tilespmem:s17], [sflag:$0x1] =	stream.indirect.gather [hbm4b:s5+s16], $0x40, s4, s16, $0xb8;
	[tilespmem:$0x79A8] =	vst v63  }
0x89: {  	_ =	swait.ge [sflag:s18], $0x2000  }
0x8a: {  	[sflag:s18] =	ssyncset.done $0x0  }
0x8b: {  	[sflag:s18] =	ssyncadd.s32 $0xFFFFE000  }
0x8c: {  	[hbm4b:s23+s4] =	stream.linear.scatter [tilespmem:s17], [sflag:$0x2], $0x2000, $0x38;
	[tilespmem:$0x79A8] =	vst v63  }
0x8d: {  	_ =	swait.ge [sflag:s14], $0x2000  }
0x8e: {  	[sflag:s14] =	ssyncset.done $0x0  }
0x8f: {  	[sflag:s14] =	ssyncadd.s32 $0xFFFFE000  }
0x90: {  	v4 =	vld [tilespmem:$0xA0]  }
0x91: {  	v5 =	vld [tilespmem:$0x80]  }
0x92: {  	v49 =	vld [tilespmem:$0xF0]  }
0x93: {  	v50 =	vshrl.u32 v17, $0x12;
	v51 =	vshra.s32 v18, $0x12;
	v52 =	vbroadcast v16, $0x0;
	s22 =	sadd.s32 $0xFFFFFFA0, s22;
	v55 =	vld [tilespmem:$0xD0]  }
0x94: {  	v54 =	vmov s22;
	v8 =	vadd.s32 v0, v51;
	v7 =	vadd.s32 v0, v50;
	v53 =	vld [tilespmem:$0xB0]  }
0x95: {  	v9 =	vadd.s32 v3, v52;
	v11 =	vmul.u32 $0x147B, v54;
	vm8 =	veq.s32 v4, $0x0;
	v4 =	vld [tilespmem:$0xC0]  }
0x96: {  	v9 =	vshra.s32 v9, $0x12;
	v56 =	vld [tilespmem:$0xE0];
	vm9 =	veq.s32 v5, $0x0;
	v5 =	vsel vm8, $0x800, v8  }
0x97: {  	v58 =	vadd.s32 v0, v9;
	v57 =	vld [tilespmem:$0x90];
	vm10 =	veq.s32 v49, $0x0;
	v7 =	vsel vm9, $0x800, v7;
	[tilespmem:$0x120] =	vst v5  }
0x98: {  	v11 =	vbroadcast v11, $0x0;
	vm12 =	veq.s32 v55, $0x0;
	v6 =	vsel vm10, $0x800, v13;
	[tilespmem:$0x100] =	vst v7  }
0x99: {  	vm11 =	veq.s32 v53, $0x0;
	v60 =	vsel vm12, $0x800, v14;
	v5 =	vadd.s32 v0, v15;
	[tilespmem:$0x170] =	vst v6  }
0x9a: {  	v59 =	vadd.s32 v3, v11;
	[tilespmem:$0x150] =	vst v60;
	v5 =	vsel vm11, $0x800, v5;
	vm13 =	veq.s32 v4, $0x0  }
0x9b: {  	vm14 =	veq.s32 v56, $0x0;
	[tilespmem:$0x130] =	vst v5;
	v4 =	vshra.s32 v59, $0x12;
	v5 =	vsel vm13, $0x800, v58  }
0x9c: {  	vm15 =	veq.s32 v57, $0x0;
	v4 =	vadd.s32 v0, v4;
	[tilespmem:$0x140] =	vst v5;
	v5 =	vsel vm14, $0x800, v12  }
0x9d: {  	v4 =	vsel vm15, $0x800, v4;
	[tilespmem:$0x160] =	vst v5  }
0x9e: {  	[tilespmem:$0x110] =	vst v4  }
0x9f: {  	[spmem:s2] =	stream.indirect.scatter.add.f32 [tilespmem:s17], [sflag:$0x2], $0x40, s19, s16, $0xb8;
	[tilespmem:$0x79A8] =	vst v63  }
0xa0: {  	_ =	swait.ge [sflag:s14], $0x2000  }
0xa1: {  	[sflag:s14] =	ssyncset.done $0x0  }
0xa2: {  	[sflag:s14] =	ssyncadd.s32 $0xFFFFE000  }
0xa3: {  	[spmem:s3] =	stream.indirect.scatter.add.f32 [tilespmem:s20], [sflag:$0x2], $0x10, s19, s16, $0xb8;
	[tilespmem:$0x79A8] =	vst v63  }
0xa4: {  	_ =	swait.ge [sflag:s14], $0x800  }
0xa5: {  	[sflag:s14] =	ssyncset.done $0x0  }
0xa6: {  	[sflag:s14] =	ssyncadd.s32 $0xFFFFF800  }
0xa7: {  	[tilespmem:s13], [sflag:$0x2] =	stream.linear.gather [spmem:s6], $0x2000, $0x38;
	[tilespmem:$0x79A8] =	vst v63  }
0xa8: {  	_ =	swait.ge [sflag:s14], $0x2000  }
0xa9: {  	[sflag:s14] =	ssyncset.done $0x0  }
0xaa: {  	[sflag:s14] =	ssyncadd.s32 $0xFFFFE000  }
0xab: {  	[tilespmem:s15], [sflag:$0x2] =	stream.linear.gather [spmem:s7], $0x800, $0x38;
	[tilespmem:$0x79A8] =	vst v63  }
0xac: {  	_ =	swait.ge [sflag:s14], $0x800  }
0xad: {  	[sflag:s14] =	ssyncset.done $0x0  }
0xae: {  	s31 =	simm.s32 $0x0;
	[sflag:s14] =	ssyncadd.s32 $0xFFFFF800  }
0xaf: {  	v4 =	vld [tilespmem:s31+$0x4980];
	_ =	sdelay $0x4  }
0xb0: {  	v4 =	vmax.f32 v4, $1.000000000e+00  }
0xb1: {  	(erf) = vrcp.f32 v4;
	_ =	sdelay $0x3  }
0xb2: {  	s22 =	simm.s32 $0x29A0  }
0xb3: {  	v4 =	vld [tilespmem:s22+$0xFFFFFFE0]  }
0xb4: {  	v5 =	vld [tilespmem:s22+$0xFFFFFFF0]  }
0xb5: {  	v61 =	vld [tilespmem:s22+$0x0]  }
0xb6: {  	v62 =	vld [tilespmem:s22+$0x10]  }
0xb7: {  	v63 =	vpop (erf)  }
0xb8: {  	v4 =	vmul.f32 v63, v4  }
0xb9: {  	v5 =	vmul.f32 v5, v63  }
0xba: {  	v6 =	vmul.f32 v61, v63;
	[tilespmem:s22+$0xFFFFFFE0] =	vst v4  }
0xbb: {  	v4 =	vmul.f32 v62, v63;
	[tilespmem:s22+$0xFFFFFFF0] =	vst v5  }
0xbc: {  	[tilespmem:s22+$0x0] =	vst v6  }
0xbd: {  	s24 =	simm.s32 $0x10;
	s23 =	simm.s32 $0x80;
	[tilespmem:s22+$0x10] =	vst v4  }
.LBB2_6:
0xbe: {  	p0 =	sne.s32 s23, $0x1FC0;
	v4 =	vld [tilespmem:s24+$0x4980];
	_ =	sdelay $0x4  }
0xbf: {  	v4 =	vmax.f32 v4, $1.000000000e+00  }
0xc0: {  	(erf) = vrcp.f32 v4;
	_ =	sdelay $0x1  }
0xc1: {  	s22 =	sadd.s32 $0x40, s22  }
0xc2: {  	v4 =	vld [tilespmem:s22+$0xFFFFFFF0]  }
0xc3: {  	v5 =	vld [tilespmem:s22+$0x10]  }
0xc4: {  	v6 =	vld [tilespmem:s22+$0xFFFFFFE0]  }
0xc5: {  	v7 =	vld [tilespmem:s22+$0x0];
	_ =	sdelay $0x2  }
0xc6: {  	v8 =	vpop (erf)  }
0xc7: {  	v6 =	vmul.f32 v8, v6;
	v4 =	vmul.f32 v4, v8  }
.Ltmp2:
0xc8: {  	v5 =	vmul.f32 v5, v8;
	v7 =	vmul.f32 v7, v8;
	(pc) =	sbr.rel @p0 .LBB2_6-.Ltmp2, $4  }
0xc9: {  	[tilespmem:s22+$0xFFFFFFE0] =	vst v6  }
0xca: {  	[tilespmem:s22+$0xFFFFFFF0] =	vst v4  }
0xcb: {  	[tilespmem:s22+$0x0] =	vst v7  }
0xcc: {  	s24 =	sshra.s32 s23, $0x2;
	s23 =	sadd.s32 $0x40, s23;
	[tilespmem:s22+$0x10] =	vst v5  }
0xcd: {  	v4 =	vld [tilespmem:s24+$0x4980];
	_ =	sdelay $0x4  }
0xce: {  	v4 =	vmax.f32 v4, $1.000000000e+00  }
0xcf: {  	(erf) = vrcp.f32 v4;
	_ =	sdelay $0x3  }
0xd0: {  	s22 =	sadd.s32 $0x40, s22  }
0xd1: {  	v4 =	vld [tilespmem:s22+$0xFFFFFFE0]  }
0xd2: {  	v5 =	vld [tilespmem:s22+$0xFFFFFFF0]  }
0xd3: {  	v6 =	vld [tilespmem:s22+$0x0]  }
0xd4: {  	v7 =	vld [tilespmem:s22+$0x10]  }
0xd5: {  	v8 =	vpop (erf)  }
0xd6: {  	v4 =	vmul.f32 v8, v4  }
0xd7: {  	v5 =	vmul.f32 v5, v8  }
0xd8: {  	v6 =	vmul.f32 v6, v8;
	[tilespmem:s22+$0xFFFFFFE0] =	vst v4  }
0xd9: {  	s21 =	sadd.s32 $0x1, s21;
	v4 =	vmul.f32 v7, v8;
	[tilespmem:s22+$0xFFFFFFF0] =	vst v5  }
0xda: {  	p0 =	sne.s32 s21, s9;
	[tilespmem:s22+$0x0] =	vst v6  }
.Ltmp3:
0xdb: {  	[tilespmem:s22+$0x10] =	vst v4;
	(pc) =	sbr.rel @p0 .LBB2_1-.Ltmp3, $4  }
0xdc: {  	[hbm4b:s8+s4] =	stream.linear.scatter [tilespmem:s13], [sflag:$0x2], $0x2000, $0x38;
	[tilespmem:$0x79A8] =	vst v63  }
0xdd: {  	_ =	swait.ge [sflag:s14], $0x2000  }
0xde: {  	[sflag:s14] =	ssyncset.done $0x0  }
0xdf: {  	[sflag:s14] =	ssyncadd.s32 $0xFFFFE000  }
0xe0: {  	_ =	sfence.sel $0x180000  }
0xe1: {  	[bflag:$0x0] =	sbarrier.arrive $0xFFFF  }
0xe2: {  	p0 =	sne.s32 s0, $0x0;
	_ =	strace $0x90000047  }
0xe3: {  	s0 =	sadd.s32 @!p0 $0x100000, s1;
	[bflag:$0x2] =	sbarrier.arrive $0xFFFF  }
0xe4: {  	[sflag:s0] =	ssyncadd.tile.s32 @!p0 $0x1;
	_ =	shalt  }
.Lfunc_end2:
_tile_overlayer_lowered:
.L_overlay_start_2:
0xe5: {  	(tag) =	ssettag $0x2  }
0xe6: {  	s0 =	rddreg [dreg:$0x0];
	s2 =	stileid.u32  }
0xe7: {  	s1 =	rddreg [dreg:$0x1];
	p0 =	sne.s32 s2, $0x0  }
0xe8: {  	s3 =	rddreg [dreg:$0x2];
	[bflag:$0x3] =	sbarrier.arrive $0xFFFF;
	s2 =	simm.s32 @!p0 $0x1C02  }
0xe9: {  	[timem:s3], [sflag:s2] =	dma.local @!p0 [hbm:s0], s1  }
0xea: {  	s0 =	simm.s32 @!p0 $0x2  }
0xeb: {  	_ =	swait.ge @!p0 [sflag:s0], s1  }
0xec: {  	s1 =	ssub.s32 @!p0 $0x0, s1;
	[sflag:s0] =	ssyncset.done @!p0 $0x0  }
0xed: {  	[sflag:s0] =	ssyncadd.s32 @!p0 s1  }
0xee: {  	[bflag:$0x3] =	sbarrier.arrive $0xFFFF  }
0xef: {  	_ =	shalt  }

// kernel: sparse-core-data-format-call.cloned.1.call-start
scs
called_computation_lowered:
.L_overlay_start_0:
0x0: {  	s2 =	sld [smem:$0x3FD9]  }
0x1: {  	s3 =	sld [smem:$0x3FFE];
	_ =	sdelay $0x1  }
0x2: {  	s1 =	srdreg.scid  }
0x3: {  	s0 =	sand.u32 $0x1, s1  }
0x4: {  	s15 =	sshll.u32 s0, $0xA;
	s2 =	sadd.s32 s3, s2  }
0x5: {  	s2 =	sadd.s32 s2, s15  }
0x6: {  	[smem:$0x3FC5] =	sst s2  }
0x7: {  	_ = 	snop  }
0x8: {  	s2 =	sld [smem:$0x3FD0];
	_ =	sdelay $0x2  }
0x9: {  	s16 =	simm.s32 $0xA;
	s4 =	simm.s32 $0x10  }
0xa: {  	[smem:s4], [sflag:s16] =	dma.local [hbm:s2], $0x1  }
0xb: {  	_ =	swait.eq [sflag:s16], $0x1  }
0xc: {  	[sflag:s16] =	ssyncset.done $0x0  }
0xd: {  	[sflag:s16] =	ssyncadd.s32 $0xFFFFFFFF  }
0xe: {  	s17 =	sld [smem:$0x11];
	(tm) =	ssettm $0x1  }
0xf: {  	s18 =	sld [smem:$0x3FFB];
	_ =	sdelay $0x3  }
0x10: {  	_ =	strace s18  }
0x11: {  	s3 =	sld [smem:$0x3FFC];
	_ =	sdelay $0x3  }
0x12: {  	_ =	strace s3  }
0x13: {  	s3 =	sld [smem:$0x3FFD];
	_ =	sdelay $0x3  }
0x14: {  	_ =	strace s3  }
0x15: {  	_ =	strace $0x8FFFFFFF  }
0x16: {  	s19 =	sld [smem:$0x3FDB];
	_ =	sdelay $0x1  }
0x17: {  	s20 =	simm.s32 $_scs_section_size  }
0x18: {  	s5 =	simm.s32 $_size__tile_overlayer_lowered;
	s6 =	simm.s32 $_tile_overlayer_lowered  }
0x19: {  	s23 =	simm.s32 $0x1BFF;
	s22 =	sshll.u32 s6, $0x1;
	s3 =	sadd.s32 s20, s19  }
0x1a: {  	s7 =	simm.s32 $0x0;
	s21 =	sshll.u32 s5, $0x1;
	s5 =	sadd.s32 s22, s3  }
0x1b: {  	[timem:s7], [sflag:s23] =	dma.local [hbm:s5], s21  }
0x1c: {  	_ =	swait.ge [sflag:s23], s21  }
0x1d: {  	s4 =	ssub.s32 $0x0, s21;
	[sflag:s23] =	ssyncset.done $0x0  }
0x1e: {  	[sflag:s23] =	ssyncadd.s32 s4;
	_ =	sdelay $0x1  }
0x1f: {  	s24 =	simm.s32 $0x1B8B  }
0x20: {  	_ =	swait.ge [sflag:s24], $0x1  }
0x21: {  	[sflag:s24] =	ssyncset.done $0x0  }
0x22: {  	s26 =	simm.s32 $0x1B8E;
	s25 =	sld [smem:$0x3FFE];
	[sflag:s24] =	ssyncadd.s32 $0xFFFFFFFF  }
0x23: {  	s27 =	simm.s32 $execute0_lowered;
	[smem:$0x3FD2] =	sst s26  }
0x24: {  	s5 =	sshll.u32 s27, $0x1;
	_ =	strace $0x80000049;
	[dreg:$0x1] =	wrdreg $0xFFFFFFFF  }
0x25: {  	s28 =	simm.s32 $_size_execute0_lowered;
	s3 =	sadd.s32 s3, s5;
	[dreg:$0x0] =	wrdreg $0x0  }
0x26: {  	s5 =	sshll.u32 s28, $0x1;
	[dreg:$0x2] =	wrdreg s3  }
0x27: {  	[dreg:$0x3] =	wrdreg s5  }
0x28: {  	[dreg:$0x4] =	wrdreg $0xC0  }
0x29: {  	_ =	task [dreg:s7], $0x5FFFF  }
0x2a: {  	[dreg:$0x1] =	wrdreg $0xFFFFFFFF  }
0x2b: {  	[dreg:$0x0] =	wrdreg $0x60  }
0x2c: {  	[dreg:$0x2] =	wrdreg s25  }
0x2d: {  	[dreg:$0x3] =	wrdreg s17  }
0x2e: {  	[dreg:$0x4] =	wrdreg $0x9  }
0x2f: {  	_ =	task.clear_ibuf [dreg:s7], $0x5FFFF;
	_ =	strace $0x90000049  }
0x30: {  	s29 =	simm.s32 $0x9;
	_ =	strace $0x8000004B  }
0x31: {  	_ =	swait.ge [sflag:s29], $0x1  }
0x32: {  	[sflag:s29] =	ssyncadd.s32 $0xFFFFFFFF  }
0x33: {  	_ =	strace $0x9000004B  }
0x34: {  	_ =	sfence  }
0x35: {  	s30 =	sld [smem:$0x0];
	_ =	sdelay $0x2  }
0x36: {  	s31 =	sshll.u32 s1, $0xD;
	s1 =	sshrl.u32 s1, $0x2  }
0x37: {  	s3 =	sand.u32 $0x4000, s31;
	s1 =	sadd.s32 s1, s30  }
0x38: {  	s0 =	sor.u32 s3, s0;
	s1 =	sshll.u32 s1, $0x11  }
0x39: {  	s0 =	sor.u32 s1, s0  }
0x3a: {  	s0 =	sadd.s32 $0x8F2B, s0  }
0x3b: {  	[sflag:s0] =	ssyncadd.remote.s32 $0x1  }
0x3c: {  	_ =	sfence.sel $0xFFFF  }
0x3d: {  	[dreg:$0x0] =	wrdreg $0xFFFFFFFF;
	(pc) =	sbr.abs _section_cstart, $3  }
0x3e: {  	[dreg:$0x1] =	wrdreg $0xFFFFFFFF  }
0x3f: {  	_ =	task.clear_ibuf [dreg:s7], $0x2FFFF;
	_ =	strace $0x9FFFFFFF  }
0x40: {  	(tm) =	ssettm $0x7FFFFFFF  }
0x41: {  	_ =	shalt  }
tec
execute0_lowered:
.L_overlay_start_1:
0x0: {  	(tag) =	ssettag $0x1  }
0x1: {  	s0 =	srdreg.scid  }
0x2: {  	s1 =	sshll.u32 s0, $0x4  }
0x3: {  	s0 =	stileid.u32;
	s1 =	sand.u32 $0x10, s1  }
0x4: {  	s1 =	sor.u32 s0, s1  }
0x5: {  	s6 =	rddreg [dreg:$0x0];
	s4 =	simm.s32 $0x1;
	s2 =	sshll.u32 s1, $0x7  }
0x6: {  	s7 =	simm.s32 $0x2;
	s12 =	simm.s32 $0x0;
	s1 =	ssub.s32 $0x1000, s2  }
0x7: {  	s8 =	simm.s32 $0x8000;
	s13 =	simm.s32 $0x0;
	s3 =	sand.u32 $0xF80, s1  }
0x8: {  	s9 =	simm.s32 $0x0;
	s5 =	sshrl.u32 s1, $0xC;
	p0 =	sne.s32 s3, $0x0  }
.Ltmp0:
0x9: {  	s1 =	rddreg [dreg:$0x2];
	s4 =	simm.s32 @!p0 $0x0;
	(pc) =	sbr.rel .LBB1_1-.Ltmp0, $4  }
0xa: {  	s11 =	simm.s32 $0x0;
	s3 =	rddreg [dreg:$0x1];
	s5 =	sadd.s32 s4, s5  }
0xb: {  	_ =	strace $0x8000004A;
	s4 =	simm.s32 $0x1;
	s5 =	smul.u32 $0x32, s5  }
0xc: {  	s6 =	sadd.s32 $0xE00, s6;
	s10 =	smov.u32 s2;
	[sflag:s4] =	ssyncpa.u1 $0x0  }
0xd: {  	p0 =	por $0x0, $0x0;
	[sflag:s7] =	ssyncpa.u1 $0x0;
	s7 =	sor.u32 $0x1, s5  }
.LBB1_4:
0xe: {  	s16 =	sshll.u32 s13, $0x3;
	s17 =	sand.u32 $0x78, s13  }
0xf: {  	s30 =	sand.u32 $0x7E00, s13;
	s12 =	sshll.u32 s12, $0xF;
	s16 =	sand.u32 $0xC00, s16  }
0x10: {  	[tilespmem:s15+$0x810 ss:$0x81] =	vst.msk $0xffff, v2;
	s31 =	sand.u32 $0x7, s13;
	s16 =	sor.u32 s17, s16;
	s17 =	sadd.s32 s3, s30  }
0x11: {  	[tilespmem:s15+$0x1020 ss:$0x81] =	vst.msk $0xffff, v0;
	s13 =	sshll.u32 s31, $0x12;
	s12 =	sadd.s32 s12, s17;
	s16 =	sshrl.u32 s16, $0x3  }
0x12: {  	[tilespmem:s15+$0x0 ss:$0x81] =	vst.msk $0xffff, v1;
	s13 =	sor.u32 $0x400, s13;
	s12 =	sadd.s32 s16, s12  }
0x13: {  	[hbm4b:s12+s13] =	stream.strided.scatter [tilespmem:s14], [sflag:$0x2], $0x2000, s8, s13, $0x20;
	[tilespmem:$0x8080] =	vst v63  }
.LBB1_5:
0x14: {  	s14 =	sadd.s32 $0x1, s9  }
0x15: {  	s12 =	sadd.s32 $0x1000, s10;
	s16 =	smov.u32 s10;
	p2 =	sgt.s32 s14, $0x31  }
0x16: {  	s16 =	smov.u32 @p2 s12  }
0x17: {  	s14 =	simm.s32 @p2 $0x0;
	p2 =	sgt.s32 s16, $0xFFF  }
0x18: {  	s16 =	smov.u32 @p2 s2;
	p2 =	sne.s32 s11, s7  }
.Ltmp1:
0x19: {  	p1 =	slt.u32 s11, $0x2;
	(pc) =	sbr.rel @!p2 .LBB1_6-.Ltmp1, $4  }
0x1a: {  	s15 =	simm.s32 @!p1 $0x2  }
0x1b: {  	s13 =	smov.u32 s10;
	p0 =	por !p0, !p0;
	_ =	swait.ge @!p1 [sflag:s15], $0x2000  }
0x1c: {  	s12 =	smov.u32 s9;
	[sflag:s15] =	ssyncset.done @!p1 $0x0;
	s9 =	smov.u32 s14  }
0x1d: {  	s11 =	sadd.s32 $0x1, s11;
	[sflag:s15] =	ssyncadd.s32 @!p1 $0xFFFFE000;
	s10 =	smov.u32 s16  }
.LBB1_1:
0x1e: {  	p1 =	sge.u32 s11, s5  }
0x1f: {  	s14 =	sand.u32 @!p1 $0x1FFFFFF, s9  }
0x20: {  	s15 =	smulhi.u32 @!p1 $0x4924925, s14;
	_ =	sdelay $0x1  }
0x21: {  	s15 =	smul.u32 @!p1 $0x38, s15  }
0x22: {  	s16 =	sxor.u32 @!p1 $0xFFFFFFFF, s11;
	s17 =	smul.u32 @!p1 $0x380, s10  }
0x23: {  	s31 =	sadd.s32 $0xFFFFFFFF, s11;
	s16 =	sshll.u32 @!p1 s16, $0xD;
	s14 =	ssub.s32 @!p1 s14, s15  }
0x24: {  	s15 =	sand.u32 @!p1 $0x2000, s16;
	s16 =	sadd.s32 @!p1 s6, s17;
	s14 =	sshll.u32 @!p1 s14, $0x4  }
0x25: {  	s17 =	simm.s32 @!p1 $0x1C00;
	s14 =	sadd.s32 @!p1 s14, s16;
	s16 =	simm.s32 @!p1 $0x40  }
0x26: {  	[tilespmem:s15], [sflag:$0x1] =	stream.strided.gather @!p1 [hbm4b:s14+s16], $0x2000, s17, s16, $0x38;
	[tilespmem:$0x8080] =	vst v63  }
0x27: {  	p1 =	sge.u32 s31, s5  }
.Ltmp2:
0x28: {  	_ = 	snop;
	(pc) =	sbr.rel @p1 .LBB1_5-.Ltmp2, $1  }
0x29: {  	_ =	sdelay $0x3  }
0x2a: {  	s14 =	simm.s32 $0x1  }
0x2b: {  	_ =	swait.ge [sflag:s4], $0x2000;
	s14 =	simm.s32 @!p0 $0x0  }
0x2c: {  	[sflag:s4] =	ssyncset.done $0x0;
	s15 =	sshll.u32 s14, $0xD  }
0x2d: {  	[sflag:s4] =	ssyncadd.s32 $0xFFFFE000;
	s18 =	sor.u32 $0x20, s15  }
0x2e: {  	s14 =	smul.u32 $0x8100, s14;
	v3 =	vld [tilespmem:s18+$0x10]  }
0x2f: {  	s30 =	sand.u32 $0x1, s11;
	v2 =	vld [tilespmem:s18+$0xFFFFFFF0]  }
0x30: {  	s15 =	smul.u32 $0x8100, s30;
	s14 =	sshrl.u32 s14, $0x2;
	v0 =	vld [tilespmem:s18+$0x0]  }
0x31: {  	v1 =	vld [tilespmem:s18+$0xFFFFFFE0];
	s16 =	sor.u32 $0x4000, s14  }
0x32: {  	s31 =	sshrl.u32 s15, $0x2;
	s15 =	sadd.s32 $0x0, s16  }
0x33: {  	s17 =	simm.s32 $0x4;
	s18 =	sadd.s32 $0x40, s18;
	s14 =	sor.u32 $0x4000, s31;
	[tilespmem:s15+$0x1830 ss:$0x81] =	vst.msk $0xffff, v3  }
.LBB1_3:
0x34: {  	v3 =	vld [tilespmem:s18+$0x10];
	p1 =	sne.s32 s17, $0x1FC;
	[tilespmem:s15+$0x810 ss:$0x81] =	vst.msk $0xffff, v2;
	s19 =	smov.u32 s17;
	s17 =	sadd.s32 $0x4, s17  }
.Ltmp3:
0x35: {  	v2 =	vld [tilespmem:s18+$0xFFFFFFF0];
	[tilespmem:s15+$0x1020 ss:$0x81] =	vst.msk $0xffff, v0;
	(pc) =	sbr.rel @p1 .LBB1_3-.Ltmp3, $4  }
0x36: {  	v0 =	vld [tilespmem:s18+$0x0];
	[tilespmem:s15+$0x0 ss:$0x81] =	vst.msk $0xffff, v1  }
0x37: {  	s15 =	sshra.s32 s19, $0x2;
	v1 =	vld [tilespmem:s18+$0xFFFFFFE0]  }
0x38: {  	s15 =	sadd.s32 s15, s16  }
0x39: {  	s18 =	sadd.s32 $0x40, s18;
	[tilespmem:s15+$0x1830 ss:$0x81] =	vst.msk $0xffff, v3  }
.Ltmp4:
0x3a: {  	_ = 	snop;
	(pc) =	sbr.rel .LBB1_4-.Ltmp4, $1  }
0x3b: {  	_ =	sdelay $0x3  }
.LBB1_6:
0x3c: {  	_ =	sfence.sel $0x180000  }
0x3d: {  	s2 =	simm.s32 $0x1;
	[bflag:$0x0] =	sbarrier.arrive $0xFFFF  }
0x3e: {  	s31 =	simm.s32 $0x2;
	[sflag:s2] =	ssyncpa.u1 $0x1  }
0x3f: {  	[sflag:s31] =	ssyncpa.u1 $0x1  }
0x40: {  	p0 =	sne.s32 s0, $0x0;
	_ =	strace $0x9000004A  }
0x41: {  	s0 =	sadd.s32 @!p0 $0x100000, s1;
	[bflag:$0x2] =	sbarrier.arrive $0xFFFF  }
0x42: {  	[sflag:s0] =	ssyncadd.tile.s32 @!p0 $0x1;
	_ =	shalt  }
.Lfunc_end1:
_tile_overlayer_lowered:
.L_overlay_start_2:
0x43: {  	(tag) =	ssettag $0x2  }
0x44: {  	s0 =	rddreg [dreg:$0x0];
	s2 =	stileid.u32  }
0x45: {  	s1 =	rddreg [dreg:$0x1];
	p0 =	sne.s32 s2, $0x0  }
0x46: {  	s3 =	rddreg [dreg:$0x2];
	[bflag:$0x3] =	sbarrier.arrive $0xFFFF;
	s2 =	simm.s32 @!p0 $0x1C01  }
0x47: {  	[timem:s3], [sflag:s2] =	dma.local @!p0 [hbm:s0], s1  }
0x48: {  	s0 =	simm.s32 @!p0 $0x1  }
0x49: {  	_ =	swait.ge @!p0 [sflag:s0], s1  }
0x4a: {  	s1 =	ssub.s32 @!p0 $0x0, s1;
	[sflag:s0] =	ssyncset.done @!p0 $0x0  }
0x4b: {  	[sflag:s0] =	ssyncadd.s32 @!p0 s1  }
0x4c: {  	[bflag:$0x3] =	sbarrier.arrive $0xFFFF  }
0x4d: {  	_ =	shalt  }

</sc_bundles>
